<compile_context>
chip_gen: v7x
topology: tpu7x:2x2x1
jax: 0.10.2.dev20260603
libtpu: 0.0.44.dev20260713+nightly
codegen_flags: <defaults>
</compile_context>

<pallas_src>
import functools

import jax
import jax.numpy as jnp
from jax import lax
from jax.experimental import pallas as pl
from jax.experimental.pallas import tpu as pltpu
from jax.experimental.pallas import tpu_sc as plsc

NC = 2
NS = 16
CHB = 48


def _hext_body(c, cw, logits_ref, h_ref, out_ref):
    lg = logits_ref[...]
    h = h_ref[...]
    m = jnp.max(lg, axis=1, keepdims=True)
    iota_c = lax.broadcasted_iota(jnp.int32, lg.shape, 1)
    cls = jnp.min(jnp.where(lg == m, iota_c, c), axis=1, keepdims=True)
    iota_w = lax.broadcasted_iota(jnp.int32, (lg.shape[0], cw), 1)
    oh = (iota_w == cls).astype(jnp.float32)
    out_ref[...] = jnp.concatenate([h, oh], axis=1)


def _build_hext(h, logits, cw, interpret=False):
    n, d = h.shape
    c = logits.shape[1]
    br = 1000 if n % 1000 == 0 else n
    grid = (n // br,)
    return pl.pallas_call(
        functools.partial(_hext_body, c, cw),
        grid=grid,
        in_specs=[
            pl.BlockSpec((br, c), lambda i: (i, 0)),
            pl.BlockSpec((br, d), lambda i: (i, 0)),
        ],
        out_specs=pl.BlockSpec((br, d + cw), lambda i: (i, 0)),
        out_shape=jax.ShapeDtypeStruct((n, d + cw), jnp.float32),
        interpret=interpret,
    )(logits, h)


def _edge_sc(n, d, cw, nch, rt, hext, srcp, dstp, zrows):
    w = d + cw
    rows_per_tile = rt // NS
    out_rows = (n // (NS * 8)) * 8
    tail = n - NS * out_rows

    mesh = plsc.VectorSubcoreMesh(core_axis_name="c", subcore_axis_name="s")

    @functools.partial(
        pl.kernel,
        out_type=(
            jax.ShapeDtypeStruct((NC, n, d), jnp.float32),
            jax.ShapeDtypeStruct((NC, n, cw), jnp.float32),
        ),
        mesh=mesh,
        scratch_types=[
            pltpu.VMEM_SHARED((rt, w), jnp.float32),
            [pltpu.VMEM((CHB, w), jnp.float32) for _ in range(2)],
            [pltpu.VMEM((CHB,), jnp.int32) for _ in range(3)],
            [pltpu.VMEM((CHB,), jnp.int32) for _ in range(3)],
            [pltpu.SemaphoreType.DMA for _ in range(3)],
            [pltpu.SemaphoreType.DMA for _ in range(2)],
        ],
        compiler_params=pltpu.CompilerParams(use_tc_tiling_on_sc=False),
    )
    def k(hext_hbm, src_hbm, dst_hbm, zrows_hbm,
          agg_out, cnt_out, acc_sh, rows, srcs, dsts, isem, gsem):
        c = lax.axis_index("c")
        s = lax.axis_index("s")
        wid = c * NS + s

        pltpu.sync_copy(zrows_hbm, acc_sh.at[pl.ds(s * rows_per_tile,
                                                   rows_per_tile)])
        plsc.subcore_barrier()

        ebase = wid * (nch * CHB)

        def idx_start(kk, r):
            off = pl.multiple_of(ebase + kk * CHB, CHB)
            pltpu.async_copy(src_hbm.at[pl.ds(off, CHB)], srcs[r], isem[r])
            pltpu.async_copy(dst_hbm.at[pl.ds(off, CHB)], dsts[r], isem[r])

        def idx_wait(r):
            pltpu.make_async_copy(src_hbm.at[pl.ds(0, CHB)],
                                  srcs[r], isem[r]).wait()
            pltpu.make_async_copy(dst_hbm.at[pl.ds(0, CHB)],
                                  dsts[r], isem[r]).wait()

        def gather_start(r, rb):
            pltpu.async_copy(hext_hbm.at[srcs[r]], rows[rb], gsem[rb])

        def gather_wait(r, rb):
            pltpu.make_async_copy(hext_hbm.at[srcs[r]],
                                  rows[rb], gsem[rb]).wait()

        idx_start(0, 0)
        idx_start(1, 1)
        idx_wait(0)
        gather_start(0, 0)

        def body(k6, carry):
            for bb in range(6):
                kk = k6 * 6 + bb
                rb = bb % 2

                @pl.when(kk + 2 < nch)
                def _():
                    idx_start(kk + 2, (bb + 2) % 3)

                @pl.when(kk + 1 < nch)
                def _():
                    idx_wait((bb + 1) % 3)
                    gather_start((bb + 1) % 3, 1 - rb)

                gather_wait(bb % 3, rb)
                pltpu.sync_copy(rows[rb], acc_sh.at[dsts[bb % 3]], add=True)
            return carry

        lax.fori_loop(0, nch // 6, body, 0, unroll=False)
        plsc.subcore_barrier()

        rb = s * out_rows
        pltpu.sync_copy(acc_sh.at[pl.ds(rb, out_rows), pl.ds(0, d)],
                        agg_out.at[c, pl.ds(rb, out_rows)])
        pltpu.sync_copy(acc_sh.at[pl.ds(rb, out_rows), pl.ds(d, cw)],
                        cnt_out.at[c, pl.ds(rb, out_rows)])
        if tail:
            tb = NS * out_rows

            @pl.when(s == 0)
            def _():
                pltpu.sync_copy(acc_sh.at[pl.ds(tb, tail), pl.ds(0, d)],
                                agg_out.at[c, pl.ds(tb, tail)])
                pltpu.sync_copy(acc_sh.at[pl.ds(tb, tail), pl.ds(d, cw)],
                                cnt_out.at[c, pl.ds(tb, tail)])

    return k(hext, srcp, dstp, zrows)


def _gate_body(cnt_ref, oh_ref, oldz_ref, t1_ref, t2_ref, z_ref, gate_ref):
    counts = cnt_ref[0] + cnt_ref[1]
    oh = oh_ref[...]
    deg = jnp.sum(counts, axis=1, keepdims=True)
    match = jnp.sum(counts * oh, axis=1, keepdims=True)
    f1 = match / deg

    gc = jnp.sum(counts, axis=0, keepdims=True)
    present = gc > 0.0
    cnts_p = jnp.clip(counts / deg, 1e-5, None)
    ent = cnts_p * jnp.log(cnts_p)
    f2 = -jnp.sum(jnp.where(present, ent, 0.0), axis=1, keepdims=True)

    def _ln(x):
        m = jnp.mean(x)
        v = jnp.mean((x - m) ** 2)
        return (x - m) / jnp.sqrt(v + 1e-5)

    nf1 = _ln(f1)
    nf2 = _ln(f2)
    t1 = t1_ref[0, 0]
    t2 = t2_ref[0, 0]
    z = jax.nn.sigmoid(-(nf1 - t1)) * jax.nn.sigmoid(-(nf2 - t2))
    z_ref[...] = z
    gate_ref[...] = jnp.minimum(oldz_ref[...], z)


def _gates(cnt_part, oh, old_z, tau_1, tau_2, interpret=False):
    n = oh.shape[0]
    return pl.pallas_call(
        _gate_body,
        out_shape=(
            jax.ShapeDtypeStruct((n, 1), jnp.float32),
            jax.ShapeDtypeStruct((n, 1), jnp.float32),
        ),
        interpret=interpret,
    )(cnt_part, oh, old_z.reshape(n, 1), tau_1.reshape(1, 1),
      tau_2.reshape(1, 1))


def _newh_body(h_ref, agg_ref, gate_ref, norm_ref, out_ref):
    agg = agg_ref[0] + agg_ref[1]
    normagg = jax.nn.relu(agg * norm_ref[...])
    out_ref[...] = h_ref[...] + gate_ref[...] * normagg


def _new_h(h, agg_part, gate, norm, interpret=False):
    n, d = h.shape
    br = 1000 if n % 1000 == 0 else n
    grid = (n // br,)
    return pl.pallas_call(
        _newh_body,
        grid=grid,
        in_specs=[
            pl.BlockSpec((br, d), lambda i: (i, 0)),
            pl.BlockSpec((NC, br, d), lambda i: (0, i, 0)),
            pl.BlockSpec((br, 1), lambda i: (i, 0)),
            pl.BlockSpec((br, 1), lambda i: (i, 0)),
        ],
        out_specs=pl.BlockSpec((br, d), lambda i: (i, 0)),
        out_shape=jax.ShapeDtypeStruct((n, d), jnp.float32),
        interpret=interpret,
    )(h, agg_part, gate, norm.reshape(n, 1))


@jax.jit
def kernel(h, logits, old_z, norm, tau_1, tau_2, edge_index):
    n, d = h.shape
    c = logits.shape[1]
    cw = ((c + 15) // 16) * 16
    e = edge_index.shape[1]

    nt = NC * NS
    nch = -(-e // (nt * CHB))
    nch = -(-nch // 6) * 6
    ep = nt * CHB * nch
    pad = ep - e

    src = edge_index[0]
    dst = edge_index[1]
    if pad:
        e2 = -(-e // nt) * nt
        if e2 != e:
            p0 = e2 - e
            r0 = jnp.arange(p0, dtype=jnp.int32)
            src = jnp.concatenate([src, (r0 * 37) % n])
            dst = jnp.concatenate([dst, n + r0 % 8])
        per = e2 // nt
        kpt = nch * CHB - per
        src = src.reshape(nt, per)
        dst = dst.reshape(nt, per)
        if kpt:
            rk = jnp.arange(kpt, dtype=jnp.int32)[None, :]
            rw = jnp.arange(nt, dtype=jnp.int32)[:, None]
            ps = ((rk + 37 * rw) * 131) % n
            pd = n + (rk + rw) % 8
            src = jnp.concatenate([src, jnp.broadcast_to(ps, (nt, kpt))],
                                  axis=1)
            dst = jnp.concatenate([dst, jnp.broadcast_to(pd, (nt, kpt))],
                                  axis=1)
        src = src.reshape(-1)
        dst = dst.reshape(-1)

    rt = -(-(n + 8) // (NS * 8)) * NS * 8
    zrows = jnp.zeros((rt // NS, d + cw), jnp.float32)

    hext = _build_hext(h, logits, cw)
    agg_part, cnt_part = _edge_sc(n, d, cw, nch, rt, hext, src, dst, zrows)

    oh = lax.slice(hext, (0, d), (n, d + cw))
    z, gate = _gates(cnt_part, oh, old_z, tau_1, tau_2)
    new_h = _new_h(h, agg_part, gate, norm)
    return new_h, z.reshape(n)

# --- scband reference (transcript-rebuilt; emitter-appended) ---
"""Pipeline reference for scband-gated-layer-7859790152274 (READ-ONLY COPY).

The authoritative reference and input builder live on the scoring server;
editing this copy changes nothing except your own understanding.
"""

import jax, jax.numpy as jnp
import numpy as np

N = 10000
E = 320000
D = 128
C = 40


def setup_inputs(seed: int = 0) -> dict:
    key = jax.random.key(seed)
    k1, k2, k3, k4, k5, k6, k7 = jax.random.split(key, 7)
    h = jax.random.normal(k1, (N, D), dtype=jnp.float32)
    logits = jax.random.normal(k2, (N, C), dtype=jnp.float32)
    old_z = jax.random.uniform(k3, (N,), dtype=jnp.float32)
    norm = jax.random.uniform(k4, (N,), dtype=jnp.float32)
    tau_1 = jax.random.uniform(k5, (1,), dtype=jnp.float32)
    tau_2 = jax.random.uniform(k6, (1,), dtype=jnp.float32)
    edge_index = jax.random.randint(k7, (2, E), 0, N, dtype=jnp.int32)
    return {"h": h, "logits": logits, "old_z": old_z, "norm": norm,
            "tau_1": tau_1, "tau_2": tau_2, "edge_index": edge_index}


def _layer_norm_1d(x):
    # nn.LayerNorm(nodes_number, elementwise_affine=False) applied to a [N] vector
    m = jnp.mean(x)
    v = jnp.mean((x - m) ** 2)
    return (x - m) / jnp.sqrt(v + 1e-5)


def reference(h, logits, old_z, norm, tau_1, tau_2, edge_index):
    src = edge_index[0]
    dst = edge_index[1]
    n = h.shape[0]
    c = logits.shape[1]

    # in-degrees (DGL g.ndata['in_degs'])
    in_degs = jax.ops.segment_sum(jnp.ones(src.shape[0], jnp.float32), dst, num_segments=n)

    # adaptive_reduce_func: neighbor predictions vs center prediction
    pred_e = jnp.argmax(logits[src], axis=1)            # [E] per-message pred
    center_pred = jnp.argmax(logits, axis=1)            # [N]
    match = (pred_e == center_pred[dst]).astype(jnp.float32)
    f1 = jax.ops.segment_sum(match, dst, num_segments=n) / in_degs

    # per-node class histogram of neighbor preds (only classes present globally,
    # mirroring torch.unique over the mailbox preds)
    onehot = jax.nn.one_hot(pred_e, c, dtype=jnp.float32)   # [E, C]
    counts = jax.ops.segment_sum(onehot, dst, num_segments=n)  # [N, C]
    global_counts = jnp.bincount(pred_e, length=c)
    present = (global_counts > 0)
    cnts_p = jnp.clip(counts / in_degs[:, None], 1e-05, None)
    f2 = -1.0 * jnp.sum(jnp.where(present[None, :], cnts_p * jnp.log(cnts_p), 0.0), axis=1)

    # .detach() in the original
    f1 = jax.lax.stop_gradient(f1)
    f2 = jax.lax.stop_gradient(f2)

    norm_f1 = _layer_norm_1d(f1)
    norm_f2 = _layer_norm_1d(f2)

    # shared_tau=True path: tau_1/tau_2 passed in
    z = jax.nn.sigmoid(-1.0 * (norm_f1 - tau_1)) * jax.nn.sigmoid(-1.0 * (norm_f2 - tau_2))
    gate = jnp.minimum(old_z, z)

    # sum aggregation of neighbor features
    agg = jax.ops.segment_sum(h[src], dst, num_segments=n)   # [N, D]
    normagg = agg * norm[:, None]
    normagg = jax.nn.relu(normagg)
    new_h = h + gate[:, None] * normagg
    return (new_h, z)

if __name__ == "__main__":
    import jax
    _d = setup_inputs()
    print(jax.jit(kernel)(*tuple(_d.values())))

</pallas_src>

<mosaic_0001>
#map = affine_map<(d0, d1) -> (0, 0)>
#map1 = affine_map<(d0, d1) -> (0)>
#map2 = affine_map<(d0, d1) -> (0, 0, 0)>
module attributes {stable_mosaic.version = 14 : i64} {
  func.func @k(%arg0: i32, %arg1: i32, %arg2: memref<10000x176xf32, #tpu.memory_space<hbm>>, %arg3: memref<322560xi32, #tpu.memory_space<hbm>>, %arg4: memref<322560xi32, #tpu.memory_space<hbm>>, %arg5: memref<632x176xf32, #tpu.memory_space<hbm>>, %arg6: memref<2x10000x128xf32, #tpu.memory_space<hbm>>, %arg7: memref<2x10000x48xf32, #tpu.memory_space<hbm>>, %arg8: memref<10112x176xf32, #tpu.memory_space<vmem_shared>>, %arg9: memref<48x176xf32, #tpu.memory_space<vmem>>, %arg10: memref<48x176xf32, #tpu.memory_space<vmem>>, %arg11: memref<48xi32, #tpu.memory_space<vmem>>, %arg12: memref<48xi32, #tpu.memory_space<vmem>>, %arg13: memref<48xi32, #tpu.memory_space<vmem>>, %arg14: memref<48xi32, #tpu.memory_space<vmem>>, %arg15: memref<48xi32, #tpu.memory_space<vmem>>, %arg16: memref<48xi32, #tpu.memory_space<vmem>>, %arg17: memref<!tpu.dma_semaphore, #tpu.memory_space<semaphore_mem>>, %arg18: memref<!tpu.dma_semaphore, #tpu.memory_space<semaphore_mem>>, %arg19: memref<!tpu.dma_semaphore, #tpu.memory_space<semaphore_mem>>, %arg20: memref<!tpu.dma_semaphore, #tpu.memory_space<semaphore_mem>>, %arg21: memref<!tpu.dma_semaphore, #tpu.memory_space<semaphore_mem>>) attributes {dimension_semantics = [#tpu.dimension_semantics<core_parallel>, #tpu.dimension_semantics<subcore_parallel>], iteration_bounds = array<i64: 2, 16>, scalar_prefetch = 0 : i64, scratch_operands = 14 : i64, tpu.core_type = #tpu.core_type<sc_vector_subcore>, window_params = [{transform_indices = #map}, {transform_indices = #map1}, {transform_indices = #map1}, {transform_indices = #map}, {transform_indices = #map2}, {transform_indices = #map2}]} {
    %mul3A = arith.constant 16 : i32
    %mul3A_0 = arith.muli %arg0, %mul3A : i32
    %add3A = arith.addi %mul3A_0, %arg1 : i32
    %mul3A_1 = arith.constant 632 : i32
    %mul3A_2 = arith.muli %arg1, %mul3A_1 : i32
    "tpu.region"() ({
      %run_scoped3A = tpu.sem_alloc : memref<!tpu.dma_semaphore, #tpu.memory_space<semaphore_mem>>
      %dma_start3A_37 = arith.constant 0 : i32
      %dma_start3A_38 = tpu.memref_slice %arg8[%mul3A_2, %dma_start3A_37] : memref<10112x176xf32, #tpu.memory_space<vmem_shared>> -> memref<632x176xf32, #tpu.memory_space<vmem_shared>>
      tpu.enqueue_dma source(%arg5 : memref<632x176xf32, #tpu.memory_space<hbm>>) target(%dma_start3A_38 : memref<632x176xf32, #tpu.memory_space<vmem_shared>>) target_semaphore(%run_scoped3A : memref<!tpu.dma_semaphore, #tpu.memory_space<semaphore_mem>>)
      %dma_wait3A_39 = arith.constant 0 : i32
      %dma_wait3A_40 = tpu.memref_slice %arg8[%mul3A_2, %dma_wait3A_39] : memref<10112x176xf32, #tpu.memory_space<vmem_shared>> -> memref<632x176xf32, #tpu.memory_space<vmem_shared>>
      tpu.wait_dma2 semaphore(%run_scoped3A : memref<!tpu.dma_semaphore, #tpu.memory_space<semaphore_mem>>) src(%arg5 : memref<632x176xf32, #tpu.memory_space<hbm>>) dst(%dma_wait3A_40 : memref<632x176xf32, #tpu.memory_space<vmem_shared>>)
      tpu.yield
    }) : () -> ()
    %barrier3A = arith.constant 0 : index
    tpu.barrier barrier_id(%barrier3A)
    %mul3A_3 = arith.constant 10080 : i32
    %mul3A_4 = arith.muli %add3A, %mul3A_3 : i32
    %add3A_5 = arith.constant 0 : i32
    %add3A_6 = arith.addi %mul3A_4, %add3A_5 : i32
    %multiple_of3A = tpu.assume_multiple %add3A_6, 48 : i32
    %dma_start3A = tpu.memref_slice %arg3[%multiple_of3A] : memref<322560xi32, #tpu.memory_space<hbm>> -> memref<48xi32, #tpu.memory_space<hbm>>
    %dma_start3A_7 = tpu.memref_slice %arg3[%multiple_of3A] : memref<322560xi32, #tpu.memory_space<hbm>> -> memref<48xi32, #tpu.memory_space<hbm>>
    tpu.enqueue_dma source(%dma_start3A_7 : memref<48xi32, #tpu.memory_space<hbm>>) target(%arg11 : memref<48xi32, #tpu.memory_space<vmem>>) target_semaphore(%arg17 : memref<!tpu.dma_semaphore, #tpu.memory_space<semaphore_mem>>)
    %dma_start3A_8 = tpu.memref_slice %arg4[%multiple_of3A] : memref<322560xi32, #tpu.memory_space<hbm>> -> memref<48xi32, #tpu.memory_space<hbm>>
    %dma_start3A_9 = tpu.memref_slice %arg4[%multiple_of3A] : memref<322560xi32, #tpu.memory_space<hbm>> -> memref<48xi32, #tpu.memory_space<hbm>>
    tpu.enqueue_dma source(%dma_start3A_9 : memref<48xi32, #tpu.memory_space<hbm>>) target(%arg14 : memref<48xi32, #tpu.memory_space<vmem>>) target_semaphore(%arg17 : memref<!tpu.dma_semaphore, #tpu.memory_space<semaphore_mem>>)
    %add3A_10 = arith.constant 48 : i32
    %add3A_11 = arith.addi %mul3A_4, %add3A_10 : i32
    %multiple_of3A_12 = tpu.assume_multiple %add3A_11, 48 : i32
    %dma_start3A_13 = tpu.memref_slice %arg3[%multiple_of3A_12] : memref<322560xi32, #tpu.memory_space<hbm>> -> memref<48xi32, #tpu.memory_space<hbm>>
    %dma_start3A_14 = tpu.memref_slice %arg3[%multiple_of3A_12] : memref<322560xi32, #tpu.memory_space<hbm>> -> memref<48xi32, #tpu.memory_space<hbm>>
    tpu.enqueue_dma source(%dma_start3A_14 : memref<48xi32, #tpu.memory_space<hbm>>) target(%arg12 : memref<48xi32, #tpu.memory_space<vmem>>) target_semaphore(%arg18 : memref<!tpu.dma_semaphore, #tpu.memory_space<semaphore_mem>>)
    %dma_start3A_15 = tpu.memref_slice %arg4[%multiple_of3A_12] : memref<322560xi32, #tpu.memory_space<hbm>> -> memref<48xi32, #tpu.memory_space<hbm>>
    %dma_start3A_16 = tpu.memref_slice %arg4[%multiple_of3A_12] : memref<322560xi32, #tpu.memory_space<hbm>> -> memref<48xi32, #tpu.memory_space<hbm>>
    tpu.enqueue_dma source(%dma_start3A_16 : memref<48xi32, #tpu.memory_space<hbm>>) target(%arg15 : memref<48xi32, #tpu.memory_space<vmem>>) target_semaphore(%arg18 : memref<!tpu.dma_semaphore, #tpu.memory_space<semaphore_mem>>)
    %dma_wait3A = arith.constant 0 : i32
    %dma_wait3A_17 = tpu.memref_slice %arg3[%dma_wait3A] : memref<322560xi32, #tpu.memory_space<hbm>> -> memref<48xi32, #tpu.memory_space<hbm>>
    %dma_wait3A_18 = arith.constant 0 : i32
    %dma_wait3A_19 = tpu.memref_slice %arg3[%dma_wait3A_18] : memref<322560xi32, #tpu.memory_space<hbm>> -> memref<48xi32, #tpu.memory_space<hbm>>
    tpu.wait_dma2 semaphore(%arg17 : memref<!tpu.dma_semaphore, #tpu.memory_space<semaphore_mem>>) src(%dma_wait3A_19 : memref<48xi32, #tpu.memory_space<hbm>>) dst(%arg11 : memref<48xi32, #tpu.memory_space<vmem>>)
    %dma_wait3A_20 = arith.constant 0 : i32
    %dma_wait3A_21 = tpu.memref_slice %arg4[%dma_wait3A_20] : memref<322560xi32, #tpu.memory_space<hbm>> -> memref<48xi32, #tpu.memory_space<hbm>>
    %dma_wait3A_22 = arith.constant 0 : i32
    %dma_wait3A_23 = tpu.memref_slice %arg4[%dma_wait3A_22] : memref<322560xi32, #tpu.memory_space<hbm>> -> memref<48xi32, #tpu.memory_space<hbm>>
    tpu.wait_dma2 semaphore(%arg17 : memref<!tpu.dma_semaphore, #tpu.memory_space<semaphore_mem>>) src(%dma_wait3A_23 : memref<48xi32, #tpu.memory_space<hbm>>) dst(%arg14 : memref<48xi32, #tpu.memory_space<vmem>>)
    %dma_start3A_24 = arith.constant 0 : i32
    %dma_start3A_25 = arith.constant 0 : i32
    %dma_start3A_26 = tpu.memref_slice %arg2[%dma_start3A_24, %dma_start3A_25] : memref<10000x176xf32, #tpu.memory_space<hbm>> -> memref<10000x176xf32, #tpu.memory_space<hbm>>
    tpu.enqueue_indirect_dma source(%dma_start3A_26 : memref<10000x176xf32, #tpu.memory_space<hbm>>) target(%arg9 : memref<48x176xf32, #tpu.memory_space<vmem>>) offsets(%arg11 : memref<48xi32, #tpu.memory_space<vmem>>) semaphore(%arg20 : memref<!tpu.dma_semaphore, #tpu.memory_space<semaphore_mem>>)
    %scan3A = arith.constant 0 : i32
    %scan3A_27 = arith.constant 0 : i32
    %scan3A_28 = arith.constant 35 : i32
    %scan3A_29 = arith.addi %scan3A_27, %scan3A_28 : i32
    %scan3A_30 = arith.constant 1 : i32
    scf.for %scan3A_37 = %scan3A_27 to %scan3A_29 step %scan3A_30  : i32 {
      %mul3A_38 = arith.constant 6 : i32
      %mul3A_39 = arith.muli %scan3A_37, %mul3A_38 : i32
      %add3A_40 = arith.constant 0 : i32
      %add3A_41 = arith.addi %mul3A_39, %add3A_40 : i32
      %add3A_42 = arith.constant 2 : i32
      %add3A_43 = arith.addi %add3A_41, %add3A_42 : i32
      %lt3A = arith.constant 210 : i32
      %lt3A_44 = arith.cmpi slt, %add3A_43, %lt3A : i32
      %convert_element_type3A_45 = arith.extui %lt3A_44 : i1 to i32
      %cond3A_46 = arith.constant 0 : i32
      %cond3A_47 = arith.cmpi ne, %convert_element_type3A_45, %cond3A_46 : i32
      scf.if %cond3A_47 {
        %add3A_163 = arith.constant 2 : i32
        %add3A_164 = arith.addi %add3A_41, %add3A_163 : i32
        %mul3A_165 = arith.constant 48 : i32
        %mul3A_166 = arith.muli %add3A_164, %mul3A_165 : i32
        %add3A_167 = arith.addi %mul3A_4, %mul3A_166 : i32
        %multiple_of3A_168 = tpu.assume_multiple %add3A_167, 48 : i32
        %dma_start3A_169 = tpu.memref_slice %arg3[%multiple_of3A_168] : memref<322560xi32, #tpu.memory_space<hbm>> -> memref<48xi32, #tpu.memory_space<hbm>>
        %dma_start3A_170 = tpu.memref_slice %arg3[%multiple_of3A_168] : memref<322560xi32, #tpu.memory_space<hbm>> -> memref<48xi32, #tpu.memory_space<hbm>>
        tpu.enqueue_dma source(%dma_start3A_170 : memref<48xi32, #tpu.memory_space<hbm>>) target(%arg13 : memref<48xi32, #tpu.memory_space<vmem>>) target_semaphore(%arg19 : memref<!tpu.dma_semaphore, #tpu.memory_space<semaphore_mem>>)
        %dma_start3A_171 = tpu.memref_slice %arg4[%multiple_of3A_168] : memref<322560xi32, #tpu.memory_space<hbm>> -> memref<48xi32, #tpu.memory_space<hbm>>
        %dma_start3A_172 = tpu.memref_slice %arg4[%multiple_of3A_168] : memref<322560xi32, #tpu.memory_space<hbm>> -> memref<48xi32, #tpu.memory_space<hbm>>
        tpu.enqueue_dma source(%dma_start3A_172 : memref<48xi32, #tpu.memory_space<hbm>>) target(%arg16 : memref<48xi32, #tpu.memory_space<vmem>>) target_semaphore(%arg19 : memref<!tpu.dma_semaphore, #tpu.memory_space<semaphore_mem>>)
      } else {
      }
      %add3A_48 = arith.constant 1 : i32
      %add3A_49 = arith.addi %add3A_41, %add3A_48 : i32
      %lt3A_50 = arith.constant 210 : i32
      %lt3A_51 = arith.cmpi slt, %add3A_49, %lt3A_50 : i32
      %convert_element_type3A_52 = arith.extui %lt3A_51 : i1 to i32
      %cond3A_53 = arith.constant 0 : i32
      %cond3A_54 = arith.cmpi ne, %convert_element_type3A_52, %cond3A_53 : i32
      scf.if %cond3A_54 {
        %dma_wait3A_163 = arith.constant 0 : i32
        %dma_wait3A_164 = tpu.memref_slice %arg3[%dma_wait3A_163] : memref<322560xi32, #tpu.memory_space<hbm>> -> memref<48xi32, #tpu.memory_space<hbm>>
        %dma_wait3A_165 = arith.constant 0 : i32
        %dma_wait3A_166 = tpu.memref_slice %arg3[%dma_wait3A_165] : memref<322560xi32, #tpu.memory_space<hbm>> -> memref<48xi32, #tpu.memory_space<hbm>>
        tpu.wait_dma2 semaphore(%arg18 : memref<!tpu.dma_semaphore, #tpu.memory_space<semaphore_mem>>) src(%dma_wait3A_166 : memref<48xi32, #tpu.memory_space<hbm>>) dst(%arg12 : memref<48xi32, #tpu.memory_space<vmem>>)
        %dma_wait3A_167 = arith.constant 0 : i32
        %dma_wait3A_168 = tpu.memref_slice %arg4[%dma_wait3A_167] : memref<322560xi32, #tpu.memory_space<hbm>> -> memref<48xi32, #tpu.memory_space<hbm>>
        %dma_wait3A_169 = arith.constant 0 : i32
        %dma_wait3A_170 = tpu.memref_slice %arg4[%dma_wait3A_169] : memref<322560xi32, #tpu.memory_space<hbm>> -> memref<48xi32, #tpu.memory_space<hbm>>
        tpu.wait_dma2 semaphore(%arg18 : memref<!tpu.dma_semaphore, #tpu.memory_space<semaphore_mem>>) src(%dma_wait3A_170 : memref<48xi32, #tpu.memory_space<hbm>>) dst(%arg15 : memref<48xi32, #tpu.memory_space<vmem>>)
        %dma_start3A_171 = arith.constant 0 : i32
        %dma_start3A_172 = arith.constant 0 : i32
        %dma_start3A_173 = tpu.memref_slice %arg2[%dma_start3A_171, %dma_start3A_172] : memref<10000x176xf32, #tpu.memory_space<hbm>> -> memref<10000x176xf32, #tpu.memory_space<hbm>>
        tpu.enqueue_indirect_dma source(%dma_start3A_173 : memref<10000x176xf32, #tpu.memory_space<hbm>>) target(%arg10 : memref<48x176xf32, #tpu.memory_space<vmem>>) offsets(%arg12 : memref<48xi32, #tpu.memory_space<vmem>>) semaphore(%arg21 : memref<!tpu.dma_semaphore, #tpu.memory_space<semaphore_mem>>)
      } else {
      }
      %dma_wait3A_55 = arith.constant 0 : i32
      %dma_wait3A_56 = arith.constant 0 : i32
      %dma_wait3A_57 = tpu.memref_slice %arg2[%dma_wait3A_55, %dma_wait3A_56] : memref<10000x176xf32, #tpu.memory_space<hbm>> -> memref<10000x176xf32, #tpu.memory_space<hbm>>
      tpu.wait_indirect_dma semaphore(%arg20 : memref<!tpu.dma_semaphore, #tpu.memory_space<semaphore_mem>>) src(%dma_wait3A_57 : memref<10000x176xf32, #tpu.memory_space<hbm>>) dst(%arg9 : memref<48x176xf32, #tpu.memory_space<vmem>>)
      "tpu.region"() ({
        %run_scoped3A = tpu.sem_alloc : memref<!tpu.dma_semaphore, #tpu.memory_space<semaphore_mem>>
        %dma_start3A_163 = arith.constant 0 : i32
        %dma_start3A_164 = arith.constant 0 : i32
        %dma_start3A_165 = tpu.memref_slice %arg8[%dma_start3A_163, %dma_start3A_164] : memref<10112x176xf32, #tpu.memory_space<vmem_shared>> -> memref<10112x176xf32, #tpu.memory_space<vmem_shared>>
        tpu.enqueue_indirect_dma source(%arg9 : memref<48x176xf32, #tpu.memory_space<vmem>>) target(%dma_start3A_165 : memref<10112x176xf32, #tpu.memory_space<vmem_shared>>) offsets(%arg14 : memref<48xi32, #tpu.memory_space<vmem>>) semaphore(%run_scoped3A : memref<!tpu.dma_semaphore, #tpu.memory_space<semaphore_mem>>) {add = true}
        %dma_wait3A_166 = arith.constant 0 : i32
        %dma_wait3A_167 = arith.constant 0 : i32
        %dma_wait3A_168 = tpu.memref_slice %arg8[%dma_wait3A_166, %dma_wait3A_167] : memref<10112x176xf32, #tpu.memory_space<vmem_shared>> -> memref<10112x176xf32, #tpu.memory_space<vmem_shared>>
        tpu.wait_indirect_dma semaphore(%run_scoped3A : memref<!tpu.dma_semaphore, #tpu.memory_space<semaphore_mem>>) src(%arg9 : memref<48x176xf32, #tpu.memory_space<vmem>>) dst(%dma_wait3A_168 : memref<10112x176xf32, #tpu.memory_space<vmem_shared>>)
        tpu.yield
      }) : () -> ()
      %mul3A_58 = arith.constant 6 : i32
      %mul3A_59 = arith.muli %scan3A_37, %mul3A_58 : i32
      %add3A_60 = arith.constant 1 : i32
      %add3A_61 = arith.addi %mul3A_59, %add3A_60 : i32
      %add3A_62 = arith.constant 2 : i32
      %add3A_63 = arith.addi %add3A_61, %add3A_62 : i32
      %lt3A_64 = arith.constant 210 : i32
      %lt3A_65 = arith.cmpi slt, %add3A_63, %lt3A_64 : i32
      %convert_element_type3A_66 = arith.extui %lt3A_65 : i1 to i32
      %cond3A_67 = arith.constant 0 : i32
      %cond3A_68 = arith.cmpi ne, %convert_element_type3A_66, %cond3A_67 : i32
      scf.if %cond3A_68 {
        %add3A_163 = arith.constant 2 : i32
        %add3A_164 = arith.addi %add3A_61, %add3A_163 : i32
        %mul3A_165 = arith.constant 48 : i32
        %mul3A_166 = arith.muli %add3A_164, %mul3A_165 : i32
        %add3A_167 = arith.addi %mul3A_4, %mul3A_166 : i32
        %multiple_of3A_168 = tpu.assume_multiple %add3A_167, 48 : i32
        %dma_start3A_169 = tpu.memref_slice %arg3[%multiple_of3A_168] : memref<322560xi32, #tpu.memory_space<hbm>> -> memref<48xi32, #tpu.memory_space<hbm>>
        %dma_start3A_170 = tpu.memref_slice %arg3[%multiple_of3A_168] : memref<322560xi32, #tpu.memory_space<hbm>> -> memref<48xi32, #tpu.memory_space<hbm>>
        tpu.enqueue_dma source(%dma_start3A_170 : memref<48xi32, #tpu.memory_space<hbm>>) target(%arg11 : memref<48xi32, #tpu.memory_space<vmem>>) target_semaphore(%arg17 : memref<!tpu.dma_semaphore, #tpu.memory_space<semaphore_mem>>)
        %dma_start3A_171 = tpu.memref_slice %arg4[%multiple_of3A_168] : memref<322560xi32, #tpu.memory_space<hbm>> -> memref<48xi32, #tpu.memory_space<hbm>>
        %dma_start3A_172 = tpu.memref_slice %arg4[%multiple_of3A_168] : memref<322560xi32, #tpu.memory_space<hbm>> -> memref<48xi32, #tpu.memory_space<hbm>>
        tpu.enqueue_dma source(%dma_start3A_172 : memref<48xi32, #tpu.memory_space<hbm>>) target(%arg14 : memref<48xi32, #tpu.memory_space<vmem>>) target_semaphore(%arg17 : memref<!tpu.dma_semaphore, #tpu.memory_space<semaphore_mem>>)
      } else {
      }
      %add3A_69 = arith.constant 1 : i32
      %add3A_70 = arith.addi %add3A_61, %add3A_69 : i32
      %lt3A_71 = arith.constant 210 : i32
      %lt3A_72 = arith.cmpi slt, %add3A_70, %lt3A_71 : i32
      %convert_element_type3A_73 = arith.extui %lt3A_72 : i1 to i32
      %cond3A_74 = arith.constant 0 : i32
      %cond3A_75 = arith.cmpi ne, %convert_element_type3A_73, %cond3A_74 : i32
      scf.if %cond3A_75 {
        %dma_wait3A_163 = arith.constant 0 : i32
        %dma_wait3A_164 = tpu.memref_slice %arg3[%dma_wait3A_163] : memref<322560xi32, #tpu.memory_space<hbm>> -> memref<48xi32, #tpu.memory_space<hbm>>
        %dma_wait3A_165 = arith.constant 0 : i32
        %dma_wait3A_166 = tpu.memref_slice %arg3[%dma_wait3A_165] : memref<322560xi32, #tpu.memory_space<hbm>> -> memref<48xi32, #tpu.memory_space<hbm>>
        tpu.wait_dma2 semaphore(%arg19 : memref<!tpu.dma_semaphore, #tpu.memory_space<semaphore_mem>>) src(%dma_wait3A_166 : memref<48xi32, #tpu.memory_space<hbm>>) dst(%arg13 : memref<48xi32, #tpu.memory_space<vmem>>)
        %dma_wait3A_167 = arith.constant 0 : i32
        %dma_wait3A_168 = tpu.memref_slice %arg4[%dma_wait3A_167] : memref<322560xi32, #tpu.memory_space<hbm>> -> memref<48xi32, #tpu.memory_space<hbm>>
        %dma_wait3A_169 = arith.constant 0 : i32
        %dma_wait3A_170 = tpu.memref_slice %arg4[%dma_wait3A_169] : memref<322560xi32, #tpu.memory_space<hbm>> -> memref<48xi32, #tpu.memory_space<hbm>>
        tpu.wait_dma2 semaphore(%arg19 : memref<!tpu.dma_semaphore, #tpu.memory_space<semaphore_mem>>) src(%dma_wait3A_170 : memref<48xi32, #tpu.memory_space<hbm>>) dst(%arg16 : memref<48xi32, #tpu.memory_space<vmem>>)
        %dma_start3A_171 = arith.constant 0 : i32
        %dma_start3A_172 = arith.constant 0 : i32
        %dma_start3A_173 = tpu.memref_slice %arg2[%dma_start3A_171, %dma_start3A_172] : memref<10000x176xf32, #tpu.memory_space<hbm>> -> memref<10000x176xf32, #tpu.memory_space<hbm>>
        tpu.enqueue_indirect_dma source(%dma_start3A_173 : memref<10000x176xf32, #tpu.memory_space<hbm>>) target(%arg9 : memref<48x176xf32, #tpu.memory_space<vmem>>) offsets(%arg13 : memref<48xi32, #tpu.memory_space<vmem>>) semaphore(%arg20 : memref<!tpu.dma_semaphore, #tpu.memory_space<semaphore_mem>>)
      } else {
      }
      %dma_wait3A_76 = arith.constant 0 : i32
      %dma_wait3A_77 = arith.constant 0 : i32
      %dma_wait3A_78 = tpu.memref_slice %arg2[%dma_wait3A_76, %dma_wait3A_77] : memref<10000x176xf32, #tpu.memory_space<hbm>> -> memref<10000x176xf32, #tpu.memory_space<hbm>>
      tpu.wait_indirect_dma semaphore(%arg21 : memref<!tpu.dma_semaphore, #tpu.memory_space<semaphore_mem>>) src(%dma_wait3A_78 : memref<10000x176xf32, #tpu.memory_space<hbm>>) dst(%arg10 : memref<48x176xf32, #tpu.memory_space<vmem>>)
      "tpu.region"() ({
        %run_scoped3A = tpu.sem_alloc : memref<!tpu.dma_semaphore, #tpu.memory_space<semaphore_mem>>
        %dma_start3A_163 = arith.constant 0 : i32
        %dma_start3A_164 = arith.constant 0 : i32
        %dma_start3A_165 = tpu.memref_slice %arg8[%dma_start3A_163, %dma_start3A_164] : memref<10112x176xf32, #tpu.memory_space<vmem_shared>> -> memref<10112x176xf32, #tpu.memory_space<vmem_shared>>
        tpu.enqueue_indirect_dma source(%arg10 : memref<48x176xf32, #tpu.memory_space<vmem>>) target(%dma_start3A_165 : memref<10112x176xf32, #tpu.memory_space<vmem_shared>>) offsets(%arg15 : memref<48xi32, #tpu.memory_space<vmem>>) semaphore(%run_scoped3A : memref<!tpu.dma_semaphore, #tpu.memory_space<semaphore_mem>>) {add = true}
        %dma_wait3A_166 = arith.constant 0 : i32
        %dma_wait3A_167 = arith.constant 0 : i32
        %dma_wait3A_168 = tpu.memref_slice %arg8[%dma_wait3A_166, %dma_wait3A_167] : memref<10112x176xf32, #tpu.memory_space<vmem_shared>> -> memref<10112x176xf32, #tpu.memory_space<vmem_shared>>
        tpu.wait_indirect_dma semaphore(%run_scoped3A : memref<!tpu.dma_semaphore, #tpu.memory_space<semaphore_mem>>) src(%arg10 : memref<48x176xf32, #tpu.memory_space<vmem>>) dst(%dma_wait3A_168 : memref<10112x176xf32, #tpu.memory_space<vmem_shared>>)
        tpu.yield
      }) : () -> ()
      %mul3A_79 = arith.constant 6 : i32
      %mul3A_80 = arith.muli %scan3A_37, %mul3A_79 : i32
      %add3A_81 = arith.constant 2 : i32
      %add3A_82 = arith.addi %mul3A_80, %add3A_81 : i32
      %add3A_83 = arith.constant 2 : i32
      %add3A_84 = arith.addi %add3A_82, %add3A_83 : i32
      %lt3A_85 = arith.constant 210 : i32
      %lt3A_86 = arith.cmpi slt, %add3A_84, %lt3A_85 : i32
      %convert_element_type3A_87 = arith.extui %lt3A_86 : i1 to i32
      %cond3A_88 = arith.constant 0 : i32
      %cond3A_89 = arith.cmpi ne, %convert_element_type3A_87, %cond3A_88 : i32
      scf.if %cond3A_89 {
        %add3A_163 = arith.constant 2 : i32
        %add3A_164 = arith.addi %add3A_82, %add3A_163 : i32
        %mul3A_165 = arith.constant 48 : i32
        %mul3A_166 = arith.muli %add3A_164, %mul3A_165 : i32
        %add3A_167 = arith.addi %mul3A_4, %mul3A_166 : i32
        %multiple_of3A_168 = tpu.assume_multiple %add3A_167, 48 : i32
        %dma_start3A_169 = tpu.memref_slice %arg3[%multiple_of3A_168] : memref<322560xi32, #tpu.memory_space<hbm>> -> memref<48xi32, #tpu.memory_space<hbm>>
        %dma_start3A_170 = tpu.memref_slice %arg3[%multiple_of3A_168] : memref<322560xi32, #tpu.memory_space<hbm>> -> memref<48xi32, #tpu.memory_space<hbm>>
        tpu.enqueue_dma source(%dma_start3A_170 : memref<48xi32, #tpu.memory_space<hbm>>) target(%arg12 : memref<48xi32, #tpu.memory_space<vmem>>) target_semaphore(%arg18 : memref<!tpu.dma_semaphore, #tpu.memory_space<semaphore_mem>>)
        %dma_start3A_171 = tpu.memref_slice %arg4[%multiple_of3A_168] : memref<322560xi32, #tpu.memory_space<hbm>> -> memref<48xi32, #tpu.memory_space<hbm>>
        %dma_start3A_172 = tpu.memref_slice %arg4[%multiple_of3A_168] : memref<322560xi32, #tpu.memory_space<hbm>> -> memref<48xi32, #tpu.memory_space<hbm>>
        tpu.enqueue_dma source(%dma_start3A_172 : memref<48xi32, #tpu.memory_space<hbm>>) target(%arg15 : memref<48xi32, #tpu.memory_space<vmem>>) target_semaphore(%arg18 : memref<!tpu.dma_semaphore, #tpu.memory_space<semaphore_mem>>)
      } else {
      }
      %add3A_90 = arith.constant 1 : i32
      %add3A_91 = arith.addi %add3A_82, %add3A_90 : i32
      %lt3A_92 = arith.constant 210 : i32
      %lt3A_93 = arith.cmpi slt, %add3A_91, %lt3A_92 : i32
      %convert_element_type3A_94 = arith.extui %lt3A_93 : i1 to i32
      %cond3A_95 = arith.constant 0 : i32
      %cond3A_96 = arith.cmpi ne, %convert_element_type3A_94, %cond3A_95 : i32
      scf.if %cond3A_96 {
        %dma_wait3A_163 = arith.constant 0 : i32
        %dma_wait3A_164 = tpu.memref_slice %arg3[%dma_wait3A_163] : memref<322560xi32, #tpu.memory_space<hbm>> -> memref<48xi32, #tpu.memory_space<hbm>>
        %dma_wait3A_165 = arith.constant 0 : i32
        %dma_wait3A_166 = tpu.memref_slice %arg3[%dma_wait3A_165] : memref<322560xi32, #tpu.memory_space<hbm>> -> memref<48xi32, #tpu.memory_space<hbm>>
        tpu.wait_dma2 semaphore(%arg17 : memref<!tpu.dma_semaphore, #tpu.memory_space<semaphore_mem>>) src(%dma_wait3A_166 : memref<48xi32, #tpu.memory_space<hbm>>) dst(%arg11 : memref<48xi32, #tpu.memory_space<vmem>>)
        %dma_wait3A_167 = arith.constant 0 : i32
        %dma_wait3A_168 = tpu.memref_slice %arg4[%dma_wait3A_167] : memref<322560xi32, #tpu.memory_space<hbm>> -> memref<48xi32, #tpu.memory_space<hbm>>
        %dma_wait3A_169 = arith.constant 0 : i32
        %dma_wait3A_170 = tpu.memref_slice %arg4[%dma_wait3A_169] : memref<322560xi32, #tpu.memory_space<hbm>> -> memref<48xi32, #tpu.memory_space<hbm>>
        tpu.wait_dma2 semaphore(%arg17 : memref<!tpu.dma_semaphore, #tpu.memory_space<semaphore_mem>>) src(%dma_wait3A_170 : memref<48xi32, #tpu.memory_space<hbm>>) dst(%arg14 : memref<48xi32, #tpu.memory_space<vmem>>)
        %dma_start3A_171 = arith.constant 0 : i32
        %dma_start3A_172 = arith.constant 0 : i32
        %dma_start3A_173 = tpu.memref_slice %arg2[%dma_start3A_171, %dma_start3A_172] : memref<10000x176xf32, #tpu.memory_space<hbm>> -> memref<10000x176xf32, #tpu.memory_space<hbm>>
        tpu.enqueue_indirect_dma source(%dma_start3A_173 : memref<10000x176xf32, #tpu.memory_space<hbm>>) target(%arg10 : memref<48x176xf32, #tpu.memory_space<vmem>>) offsets(%arg11 : memref<48xi32, #tpu.memory_space<vmem>>) semaphore(%arg21 : memref<!tpu.dma_semaphore, #tpu.memory_space<semaphore_mem>>)
      } else {
      }
      %dma_wait3A_97 = arith.constant 0 : i32
      %dma_wait3A_98 = arith.constant 0 : i32
      %dma_wait3A_99 = tpu.memref_slice %arg2[%dma_wait3A_97, %dma_wait3A_98] : memref<10000x176xf32, #tpu.memory_space<hbm>> -> memref<10000x176xf32, #tpu.memory_space<hbm>>
      tpu.wait_indirect_dma semaphore(%arg20 : memref<!tpu.dma_semaphore, #tpu.memory_space<semaphore_mem>>) src(%dma_wait3A_99 : memref<10000x176xf32, #tpu.memory_space<hbm>>) dst(%arg9 : memref<48x176xf32, #tpu.memory_space<vmem>>)
      "tpu.region"() ({
        %run_scoped3A = tpu.sem_alloc : memref<!tpu.dma_semaphore, #tpu.memory_space<semaphore_mem>>
        %dma_start3A_163 = arith.constant 0 : i32
        %dma_start3A_164 = arith.constant 0 : i32
        %dma_start3A_165 = tpu.memref_slice %arg8[%dma_start3A_163, %dma_start3A_164] : memref<10112x176xf32, #tpu.memory_space<vmem_shared>> -> memref<10112x176xf32, #tpu.memory_space<vmem_shared>>
        tpu.enqueue_indirect_dma source(%arg9 : memref<48x176xf32, #tpu.memory_space<vmem>>) target(%dma_start3A_165 : memref<10112x176xf32, #tpu.memory_space<vmem_shared>>) offsets(%arg16 : memref<48xi32, #tpu.memory_space<vmem>>) semaphore(%run_scoped3A : memref<!tpu.dma_semaphore, #tpu.memory_space<semaphore_mem>>) {add = true}
        %dma_wait3A_166 = arith.constant 0 : i32
        %dma_wait3A_167 = arith.constant 0 : i32
        %dma_wait3A_168 = tpu.memref_slice %arg8[%dma_wait3A_166, %dma_wait3A_167] : memref<10112x176xf32, #tpu.memory_space<vmem_shared>> -> memref<10112x176xf32, #tpu.memory_space<vmem_shared>>
        tpu.wait_indirect_dma semaphore(%run_scoped3A : memref<!tpu.dma_semaphore, #tpu.memory_space<semaphore_mem>>) src(%arg9 : memref<48x176xf32, #tpu.memory_space<vmem>>) dst(%dma_wait3A_168 : memref<10112x176xf32, #tpu.memory_space<vmem_shared>>)
        tpu.yield
      }) : () -> ()
      %mul3A_100 = arith.constant 6 : i32
      %mul3A_101 = arith.muli %scan3A_37, %mul3A_100 : i32
      %add3A_102 = arith.constant 3 : i32
      %add3A_103 = arith.addi %mul3A_101, %add3A_102 : i32
      %add3A_104 = arith.constant 2 : i32
      %add3A_105 = arith.addi %add3A_103, %add3A_104 : i32
      %lt3A_106 = arith.constant 210 : i32
      %lt3A_107 = arith.cmpi slt, %add3A_105, %lt3A_106 : i32
      %convert_element_type3A_108 = arith.extui %lt3A_107 : i1 to i32
      %cond3A_109 = arith.constant 0 : i32
      %cond3A_110 = arith.cmpi ne, %convert_element_type3A_108, %cond3A_109 : i32
      scf.if %cond3A_110 {
        %add3A_163 = arith.constant 2 : i32
        %add3A_164 = arith.addi %add3A_103, %add3A_163 : i32
        %mul3A_165 = arith.constant 48 : i32
        %mul3A_166 = arith.muli %add3A_164, %mul3A_165 : i32
        %add3A_167 = arith.addi %mul3A_4, %mul3A_166 : i32
        %multiple_of3A_168 = tpu.assume_multiple %add3A_167, 48 : i32
        %dma_start3A_169 = tpu.memref_slice %arg3[%multiple_of3A_168] : memref<322560xi32, #tpu.memory_space<hbm>> -> memref<48xi32, #tpu.memory_space<hbm>>
        %dma_start3A_170 = tpu.memref_slice %arg3[%multiple_of3A_168] : memref<322560xi32, #tpu.memory_space<hbm>> -> memref<48xi32, #tpu.memory_space<hbm>>
        tpu.enqueue_dma source(%dma_start3A_170 : memref<48xi32, #tpu.memory_space<hbm>>) target(%arg13 : memref<48xi32, #tpu.memory_space<vmem>>) target_semaphore(%arg19 : memref<!tpu.dma_semaphore, #tpu.memory_space<semaphore_mem>>)
        %dma_start3A_171 = tpu.memref_slice %arg4[%multiple_of3A_168] : memref<322560xi32, #tpu.memory_space<hbm>> -> memref<48xi32, #tpu.memory_space<hbm>>
        %dma_start3A_172 = tpu.memref_slice %arg4[%multiple_of3A_168] : memref<322560xi32, #tpu.memory_space<hbm>> -> memref<48xi32, #tpu.memory_space<hbm>>
        tpu.enqueue_dma source(%dma_start3A_172 : memref<48xi32, #tpu.memory_space<hbm>>) target(%arg16 : memref<48xi32, #tpu.memory_space<vmem>>) target_semaphore(%arg19 : memref<!tpu.dma_semaphore, #tpu.memory_space<semaphore_mem>>)
      } else {
      }
      %add3A_111 = arith.constant 1 : i32
      %add3A_112 = arith.addi %add3A_103, %add3A_111 : i32
      %lt3A_113 = arith.constant 210 : i32
      %lt3A_114 = arith.cmpi slt, %add3A_112, %lt3A_113 : i32
      %convert_element_type3A_115 = arith.extui %lt3A_114 : i1 to i32
      %cond3A_116 = arith.constant 0 : i32
      %cond3A_117 = arith.cmpi ne, %convert_element_type3A_115, %cond3A_116 : i32
      scf.if %cond3A_117 {
        %dma_wait3A_163 = arith.constant 0 : i32
        %dma_wait3A_164 = tpu.memref_slice %arg3[%dma_wait3A_163] : memref<322560xi32, #tpu.memory_space<hbm>> -> memref<48xi32, #tpu.memory_space<hbm>>
        %dma_wait3A_165 = arith.constant 0 : i32
        %dma_wait3A_166 = tpu.memref_slice %arg3[%dma_wait3A_165] : memref<322560xi32, #tpu.memory_space<hbm>> -> memref<48xi32, #tpu.memory_space<hbm>>
        tpu.wait_dma2 semaphore(%arg18 : memref<!tpu.dma_semaphore, #tpu.memory_space<semaphore_mem>>) src(%dma_wait3A_166 : memref<48xi32, #tpu.memory_space<hbm>>) dst(%arg12 : memref<48xi32, #tpu.memory_space<vmem>>)
        %dma_wait3A_167 = arith.constant 0 : i32
        %dma_wait3A_168 = tpu.memref_slice %arg4[%dma_wait3A_167] : memref<322560xi32, #tpu.memory_space<hbm>> -> memref<48xi32, #tpu.memory_space<hbm>>
        %dma_wait3A_169 = arith.constant 0 : i32
        %dma_wait3A_170 = tpu.memref_slice %arg4[%dma_wait3A_169] : memref<322560xi32, #tpu.memory_space<hbm>> -> memref<48xi32, #tpu.memory_space<hbm>>
        tpu.wait_dma2 semaphore(%arg18 : memref<!tpu.dma_semaphore, #tpu.memory_space<semaphore_mem>>) src(%dma_wait3A_170 : memref<48xi32, #tpu.memory_space<hbm>>) dst(%arg15 : memref<48xi32, #tpu.memory_space<vmem>>)
        %dma_start3A_171 = arith.constant 0 : i32
        %dma_start3A_172 = arith.constant 0 : i32
        %dma_start3A_173 = tpu.memref_slice %arg2[%dma_start3A_171, %dma_start3A_172] : memref<10000x176xf32, #tpu.memory_space<hbm>> -> memref<10000x176xf32, #tpu.memory_space<hbm>>
        tpu.enqueue_indirect_dma source(%dma_start3A_173 : memref<10000x176xf32, #tpu.memory_space<hbm>>) target(%arg9 : memref<48x176xf32, #tpu.memory_space<vmem>>) offsets(%arg12 : memref<48xi32, #tpu.memory_space<vmem>>) semaphore(%arg20 : memref<!tpu.dma_semaphore, #tpu.memory_space<semaphore_mem>>)
      } else {
      }
      %dma_wait3A_118 = arith.constant 0 : i32
      %dma_wait3A_119 = arith.constant 0 : i32
      %dma_wait3A_120 = tpu.memref_slice %arg2[%dma_wait3A_118, %dma_wait3A_119] : memref<10000x176xf32, #tpu.memory_space<hbm>> -> memref<10000x176xf32, #tpu.memory_space<hbm>>
      tpu.wait_indirect_dma semaphore(%arg21 : memref<!tpu.dma_semaphore, #tpu.memory_space<semaphore_mem>>) src(%dma_wait3A_120 : memref<10000x176xf32, #tpu.memory_space<hbm>>) dst(%arg10 : memref<48x176xf32, #tpu.memory_space<vmem>>)
      "tpu.region"() ({
        %run_scoped3A = tpu.sem_alloc : memref<!tpu.dma_semaphore, #tpu.memory_space<semaphore_mem>>
        %dma_start3A_163 = arith.constant 0 : i32
        %dma_start3A_164 = arith.constant 0 : i32
        %dma_start3A_165 = tpu.memref_slice %arg8[%dma_start3A_163, %dma_start3A_164] : memref<10112x176xf32, #tpu.memory_space<vmem_shared>> -> memref<10112x176xf32, #tpu.memory_space<vmem_shared>>
        tpu.enqueue_indirect_dma source(%arg10 : memref<48x176xf32, #tpu.memory_space<vmem>>) target(%dma_start3A_165 : memref<10112x176xf32, #tpu.memory_space<vmem_shared>>) offsets(%arg14 : memref<48xi32, #tpu.memory_space<vmem>>) semaphore(%run_scoped3A : memref<!tpu.dma_semaphore, #tpu.memory_space<semaphore_mem>>) {add = true}
        %dma_wait3A_166 = arith.constant 0 : i32
        %dma_wait3A_167 = arith.constant 0 : i32
        %dma_wait3A_168 = tpu.memref_slice %arg8[%dma_wait3A_166, %dma_wait3A_167] : memref<10112x176xf32, #tpu.memory_space<vmem_shared>> -> memref<10112x176xf32, #tpu.memory_space<vmem_shared>>
        tpu.wait_indirect_dma semaphore(%run_scoped3A : memref<!tpu.dma_semaphore, #tpu.memory_space<semaphore_mem>>) src(%arg10 : memref<48x176xf32, #tpu.memory_space<vmem>>) dst(%dma_wait3A_168 : memref<10112x176xf32, #tpu.memory_space<vmem_shared>>)
        tpu.yield
      }) : () -> ()
      %mul3A_121 = arith.constant 6 : i32
      %mul3A_122 = arith.muli %scan3A_37, %mul3A_121 : i32
      %add3A_123 = arith.constant 4 : i32
      %add3A_124 = arith.addi %mul3A_122, %add3A_123 : i32
      %add3A_125 = arith.constant 2 : i32
      %add3A_126 = arith.addi %add3A_124, %add3A_125 : i32
      %lt3A_127 = arith.constant 210 : i32
      %lt3A_128 = arith.cmpi slt, %add3A_126, %lt3A_127 : i32
      %convert_element_type3A_129 = arith.extui %lt3A_128 : i1 to i32
      %cond3A_130 = arith.constant 0 : i32
      %cond3A_131 = arith.cmpi ne, %convert_element_type3A_129, %cond3A_130 : i32
      scf.if %cond3A_131 {
        %add3A_163 = arith.constant 2 : i32
        %add3A_164 = arith.addi %add3A_124, %add3A_163 : i32
        %mul3A_165 = arith.constant 48 : i32
        %mul3A_166 = arith.muli %add3A_164, %mul3A_165 : i32
        %add3A_167 = arith.addi %mul3A_4, %mul3A_166 : i32
        %multiple_of3A_168 = tpu.assume_multiple %add3A_167, 48 : i32
        %dma_start3A_169 = tpu.memref_slice %arg3[%multiple_of3A_168] : memref<322560xi32, #tpu.memory_space<hbm>> -> memref<48xi32, #tpu.memory_space<hbm>>
        %dma_start3A_170 = tpu.memref_slice %arg3[%multiple_of3A_168] : memref<322560xi32, #tpu.memory_space<hbm>> -> memref<48xi32, #tpu.memory_space<hbm>>
        tpu.enqueue_dma source(%dma_start3A_170 : memref<48xi32, #tpu.memory_space<hbm>>) target(%arg11 : memref<48xi32, #tpu.memory_space<vmem>>) target_semaphore(%arg17 : memref<!tpu.dma_semaphore, #tpu.memory_space<semaphore_mem>>)
        %dma_start3A_171 = tpu.memref_slice %arg4[%multiple_of3A_168] : memref<322560xi32, #tpu.memory_space<hbm>> -> memref<48xi32, #tpu.memory_space<hbm>>
        %dma_start3A_172 = tpu.memref_slice %arg4[%multiple_of3A_168] : memref<322560xi32, #tpu.memory_space<hbm>> -> memref<48xi32, #tpu.memory_space<hbm>>
        tpu.enqueue_dma source(%dma_start3A_172 : memref<48xi32, #tpu.memory_space<hbm>>) target(%arg14 : memref<48xi32, #tpu.memory_space<vmem>>) target_semaphore(%arg17 : memref<!tpu.dma_semaphore, #tpu.memory_space<semaphore_mem>>)
      } else {
      }
      %add3A_132 = arith.constant 1 : i32
      %add3A_133 = arith.addi %add3A_124, %add3A_132 : i32
      %lt3A_134 = arith.constant 210 : i32
      %lt3A_135 = arith.cmpi slt, %add3A_133, %lt3A_134 : i32
      %convert_element_type3A_136 = arith.extui %lt3A_135 : i1 to i32
      %cond3A_137 = arith.constant 0 : i32
      %cond3A_138 = arith.cmpi ne, %convert_element_type3A_136, %cond3A_137 : i32
      scf.if %cond3A_138 {
        %dma_wait3A_163 = arith.constant 0 : i32
        %dma_wait3A_164 = tpu.memref_slice %arg3[%dma_wait3A_163] : memref<322560xi32, #tpu.memory_space<hbm>> -> memref<48xi32, #tpu.memory_space<hbm>>
        %dma_wait3A_165 = arith.constant 0 : i32
        %dma_wait3A_166 = tpu.memref_slice %arg3[%dma_wait3A_165] : memref<322560xi32, #tpu.memory_space<hbm>> -> memref<48xi32, #tpu.memory_space<hbm>>
        tpu.wait_dma2 semaphore(%arg19 : memref<!tpu.dma_semaphore, #tpu.memory_space<semaphore_mem>>) src(%dma_wait3A_166 : memref<48xi32, #tpu.memory_space<hbm>>) dst(%arg13 : memref<48xi32, #tpu.memory_space<vmem>>)
        %dma_wait3A_167 = arith.constant 0 : i32
        %dma_wait3A_168 = tpu.memref_slice %arg4[%dma_wait3A_167] : memref<322560xi32, #tpu.memory_space<hbm>> -> memref<48xi32, #tpu.memory_space<hbm>>
        %dma_wait3A_169 = arith.constant 0 : i32
        %dma_wait3A_170 = tpu.memref_slice %arg4[%dma_wait3A_169] : memref<322560xi32, #tpu.memory_space<hbm>> -> memref<48xi32, #tpu.memory_space<hbm>>
        tpu.wait_dma2 semaphore(%arg19 : memref<!tpu.dma_semaphore, #tpu.memory_space<semaphore_mem>>) src(%dma_wait3A_170 : memref<48xi32, #tpu.memory_space<hbm>>) dst(%arg16 : memref<48xi32, #tpu.memory_space<vmem>>)
        %dma_start3A_171 = arith.constant 0 : i32
        %dma_start3A_172 = arith.constant 0 : i32
        %dma_start3A_173 = tpu.memref_slice %arg2[%dma_start3A_171, %dma_start3A_172] : memref<10000x176xf32, #tpu.memory_space<hbm>> -> memref<10000x176xf32, #tpu.memory_space<hbm>>
        tpu.enqueue_indirect_dma source(%dma_start3A_173 : memref<10000x176xf32, #tpu.memory_space<hbm>>) target(%arg10 : memref<48x176xf32, #tpu.memory_space<vmem>>) offsets(%arg13 : memref<48xi32, #tpu.memory_space<vmem>>) semaphore(%arg21 : memref<!tpu.dma_semaphore, #tpu.memory_space<semaphore_mem>>)
      } else {
      }
      %dma_wait3A_139 = arith.constant 0 : i32
      %dma_wait3A_140 = arith.constant 0 : i32
      %dma_wait3A_141 = tpu.memref_slice %arg2[%dma_wait3A_139, %dma_wait3A_140] : memref<10000x176xf32, #tpu.memory_space<hbm>> -> memref<10000x176xf32, #tpu.memory_space<hbm>>
      tpu.wait_indirect_dma semaphore(%arg20 : memref<!tpu.dma_semaphore, #tpu.memory_space<semaphore_mem>>) src(%dma_wait3A_141 : memref<10000x176xf32, #tpu.memory_space<hbm>>) dst(%arg9 : memref<48x176xf32, #tpu.memory_space<vmem>>)
      "tpu.region"() ({
        %run_scoped3A = tpu.sem_alloc : memref<!tpu.dma_semaphore, #tpu.memory_space<semaphore_mem>>
        %dma_start3A_163 = arith.constant 0 : i32
        %dma_start3A_164 = arith.constant 0 : i32
        %dma_start3A_165 = tpu.memref_slice %arg8[%dma_start3A_163, %dma_start3A_164] : memref<10112x176xf32, #tpu.memory_space<vmem_shared>> -> memref<10112x176xf32, #tpu.memory_space<vmem_shared>>
        tpu.enqueue_indirect_dma source(%arg9 : memref<48x176xf32, #tpu.memory_space<vmem>>) target(%dma_start3A_165 : memref<10112x176xf32, #tpu.memory_space<vmem_shared>>) offsets(%arg15 : memref<48xi32, #tpu.memory_space<vmem>>) semaphore(%run_scoped3A : memref<!tpu.dma_semaphore, #tpu.memory_space<semaphore_mem>>) {add = true}
        %dma_wait3A_166 = arith.constant 0 : i32
        %dma_wait3A_167 = arith.constant 0 : i32
        %dma_wait3A_168 = tpu.memref_slice %arg8[%dma_wait3A_166, %dma_wait3A_167] : memref<10112x176xf32, #tpu.memory_space<vmem_shared>> -> memref<10112x176xf32, #tpu.memory_space<vmem_shared>>
        tpu.wait_indirect_dma semaphore(%run_scoped3A : memref<!tpu.dma_semaphore, #tpu.memory_space<semaphore_mem>>) src(%arg9 : memref<48x176xf32, #tpu.memory_space<vmem>>) dst(%dma_wait3A_168 : memref<10112x176xf32, #tpu.memory_space<vmem_shared>>)
        tpu.yield
      }) : () -> ()
      %mul3A_142 = arith.constant 6 : i32
      %mul3A_143 = arith.muli %scan3A_37, %mul3A_142 : i32
      %add3A_144 = arith.constant 5 : i32
      %add3A_145 = arith.addi %mul3A_143, %add3A_144 : i32
      %add3A_146 = arith.constant 2 : i32
      %add3A_147 = arith.addi %add3A_145, %add3A_146 : i32
      %lt3A_148 = arith.constant 210 : i32
      %lt3A_149 = arith.cmpi slt, %add3A_147, %lt3A_148 : i32
      %convert_element_type3A_150 = arith.extui %lt3A_149 : i1 to i32
      %cond3A_151 = arith.constant 0 : i32
      %cond3A_152 = arith.cmpi ne, %convert_element_type3A_150, %cond3A_151 : i32
      scf.if %cond3A_152 {
        %add3A_163 = arith.constant 2 : i32
        %add3A_164 = arith.addi %add3A_145, %add3A_163 : i32
        %mul3A_165 = arith.constant 48 : i32
        %mul3A_166 = arith.muli %add3A_164, %mul3A_165 : i32
        %add3A_167 = arith.addi %mul3A_4, %mul3A_166 : i32
        %multiple_of3A_168 = tpu.assume_multiple %add3A_167, 48 : i32
        %dma_start3A_169 = tpu.memref_slice %arg3[%multiple_of3A_168] : memref<322560xi32, #tpu.memory_space<hbm>> -> memref<48xi32, #tpu.memory_space<hbm>>
        %dma_start3A_170 = tpu.memref_slice %arg3[%multiple_of3A_168] : memref<322560xi32, #tpu.memory_space<hbm>> -> memref<48xi32, #tpu.memory_space<hbm>>
        tpu.enqueue_dma source(%dma_start3A_170 : memref<48xi32, #tpu.memory_space<hbm>>) target(%arg12 : memref<48xi32, #tpu.memory_space<vmem>>) target_semaphore(%arg18 : memref<!tpu.dma_semaphore, #tpu.memory_space<semaphore_mem>>)
        %dma_start3A_171 = tpu.memref_slice %arg4[%multiple_of3A_168] : memref<322560xi32, #tpu.memory_space<hbm>> -> memref<48xi32, #tpu.memory_space<hbm>>
        %dma_start3A_172 = tpu.memref_slice %arg4[%multiple_of3A_168] : memref<322560xi32, #tpu.memory_space<hbm>> -> memref<48xi32, #tpu.memory_space<hbm>>
        tpu.enqueue_dma source(%dma_start3A_172 : memref<48xi32, #tpu.memory_space<hbm>>) target(%arg15 : memref<48xi32, #tpu.memory_space<vmem>>) target_semaphore(%arg18 : memref<!tpu.dma_semaphore, #tpu.memory_space<semaphore_mem>>)
      } else {
      }
      %add3A_153 = arith.constant 1 : i32
      %add3A_154 = arith.addi %add3A_145, %add3A_153 : i32
      %lt3A_155 = arith.constant 210 : i32
      %lt3A_156 = arith.cmpi slt, %add3A_154, %lt3A_155 : i32
      %convert_element_type3A_157 = arith.extui %lt3A_156 : i1 to i32
      %cond3A_158 = arith.constant 0 : i32
      %cond3A_159 = arith.cmpi ne, %convert_element_type3A_157, %cond3A_158 : i32
      scf.if %cond3A_159 {
        %dma_wait3A_163 = arith.constant 0 : i32
        %dma_wait3A_164 = tpu.memref_slice %arg3[%dma_wait3A_163] : memref<322560xi32, #tpu.memory_space<hbm>> -> memref<48xi32, #tpu.memory_space<hbm>>
        %dma_wait3A_165 = arith.constant 0 : i32
        %dma_wait3A_166 = tpu.memref_slice %arg3[%dma_wait3A_165] : memref<322560xi32, #tpu.memory_space<hbm>> -> memref<48xi32, #tpu.memory_space<hbm>>
        tpu.wait_dma2 semaphore(%arg17 : memref<!tpu.dma_semaphore, #tpu.memory_space<semaphore_mem>>) src(%dma_wait3A_166 : memref<48xi32, #tpu.memory_space<hbm>>) dst(%arg11 : memref<48xi32, #tpu.memory_space<vmem>>)
        %dma_wait3A_167 = arith.constant 0 : i32
        %dma_wait3A_168 = tpu.memref_slice %arg4[%dma_wait3A_167] : memref<322560xi32, #tpu.memory_space<hbm>> -> memref<48xi32, #tpu.memory_space<hbm>>
        %dma_wait3A_169 = arith.constant 0 : i32
        %dma_wait3A_170 = tpu.memref_slice %arg4[%dma_wait3A_169] : memref<322560xi32, #tpu.memory_space<hbm>> -> memref<48xi32, #tpu.memory_space<hbm>>
        tpu.wait_dma2 semaphore(%arg17 : memref<!tpu.dma_semaphore, #tpu.memory_space<semaphore_mem>>) src(%dma_wait3A_170 : memref<48xi32, #tpu.memory_space<hbm>>) dst(%arg14 : memref<48xi32, #tpu.memory_space<vmem>>)
        %dma_start3A_171 = arith.constant 0 : i32
        %dma_start3A_172 = arith.constant 0 : i32
        %dma_start3A_173 = tpu.memref_slice %arg2[%dma_start3A_171, %dma_start3A_172] : memref<10000x176xf32, #tpu.memory_space<hbm>> -> memref<10000x176xf32, #tpu.memory_space<hbm>>
        tpu.enqueue_indirect_dma source(%dma_start3A_173 : memref<10000x176xf32, #tpu.memory_space<hbm>>) target(%arg9 : memref<48x176xf32, #tpu.memory_space<vmem>>) offsets(%arg11 : memref<48xi32, #tpu.memory_space<vmem>>) semaphore(%arg20 : memref<!tpu.dma_semaphore, #tpu.memory_space<semaphore_mem>>)
      } else {
      }
      %dma_wait3A_160 = arith.constant 0 : i32
      %dma_wait3A_161 = arith.constant 0 : i32
      %dma_wait3A_162 = tpu.memref_slice %arg2[%dma_wait3A_160, %dma_wait3A_161] : memref<10000x176xf32, #tpu.memory_space<hbm>> -> memref<10000x176xf32, #tpu.memory_space<hbm>>
      tpu.wait_indirect_dma semaphore(%arg21 : memref<!tpu.dma_semaphore, #tpu.memory_space<semaphore_mem>>) src(%dma_wait3A_162 : memref<10000x176xf32, #tpu.memory_space<hbm>>) dst(%arg10 : memref<48x176xf32, #tpu.memory_space<vmem>>)
      "tpu.region"() ({
        %run_scoped3A = tpu.sem_alloc : memref<!tpu.dma_semaphore, #tpu.memory_space<semaphore_mem>>
        %dma_start3A_163 = arith.constant 0 : i32
        %dma_start3A_164 = arith.constant 0 : i32
        %dma_start3A_165 = tpu.memref_slice %arg8[%dma_start3A_163, %dma_start3A_164] : memref<10112x176xf32, #tpu.memory_space<vmem_shared>> -> memref<10112x176xf32, #tpu.memory_space<vmem_shared>>
        tpu.enqueue_indirect_dma source(%arg10 : memref<48x176xf32, #tpu.memory_space<vmem>>) target(%dma_start3A_165 : memref<10112x176xf32, #tpu.memory_space<vmem_shared>>) offsets(%arg16 : memref<48xi32, #tpu.memory_space<vmem>>) semaphore(%run_scoped3A : memref<!tpu.dma_semaphore, #tpu.memory_space<semaphore_mem>>) {add = true}
        %dma_wait3A_166 = arith.constant 0 : i32
        %dma_wait3A_167 = arith.constant 0 : i32
        %dma_wait3A_168 = tpu.memref_slice %arg8[%dma_wait3A_166, %dma_wait3A_167] : memref<10112x176xf32, #tpu.memory_space<vmem_shared>> -> memref<10112x176xf32, #tpu.memory_space<vmem_shared>>
        tpu.wait_indirect_dma semaphore(%run_scoped3A : memref<!tpu.dma_semaphore, #tpu.memory_space<semaphore_mem>>) src(%arg10 : memref<48x176xf32, #tpu.memory_space<vmem>>) dst(%dma_wait3A_168 : memref<10112x176xf32, #tpu.memory_space<vmem_shared>>)
        tpu.yield
      }) : () -> ()
    }
    %scan3A_31 = arith.constant 35 : i32
    %barrier3A_32 = arith.constant 0 : index
    tpu.barrier barrier_id(%barrier3A_32)
    %mul3A_33 = arith.constant 624 : i32
    %mul3A_34 = arith.muli %arg1, %mul3A_33 : i32
    "tpu.region"() ({
      %run_scoped3A = tpu.sem_alloc : memref<!tpu.dma_semaphore, #tpu.memory_space<semaphore_mem>>
      %dma_start3A_37 = arith.constant 0 : i32
      %dma_start3A_38 = tpu.memref_slice %arg6[%arg0, %mul3A_34, %dma_start3A_37] : memref<2x10000x128xf32, #tpu.memory_space<hbm>> -> memref<1x624x128xf32, #tpu.memory_space<hbm>>
      %dma_start3A_39 = tpu.memref_squeeze %dma_start3A_38 : memref<1x624x128xf32, #tpu.memory_space<hbm>> -> memref<624x128xf32, #tpu.memory_space<hbm>>
      %dma_start3A_40 = arith.constant 0 : i32
      %dma_start3A_41 = tpu.memref_slice %arg8[%mul3A_34, %dma_start3A_40] : memref<10112x176xf32, #tpu.memory_space<vmem_shared>> -> memref<624x128xf32, #tpu.memory_space<vmem_shared>>
      tpu.enqueue_dma source(%dma_start3A_41 : memref<624x128xf32, #tpu.memory_space<vmem_shared>>) target(%dma_start3A_39 : memref<624x128xf32, #tpu.memory_space<hbm>>) target_semaphore(%run_scoped3A : memref<!tpu.dma_semaphore, #tpu.memory_space<semaphore_mem>>)
      %dma_wait3A_42 = arith.constant 0 : i32
      %dma_wait3A_43 = tpu.memref_slice %arg6[%arg0, %mul3A_34, %dma_wait3A_42] : memref<2x10000x128xf32, #tpu.memory_space<hbm>> -> memref<1x624x128xf32, #tpu.memory_space<hbm>>
      %dma_wait3A_44 = tpu.memref_squeeze %dma_wait3A_43 : memref<1x624x128xf32, #tpu.memory_space<hbm>> -> memref<624x128xf32, #tpu.memory_space<hbm>>
      %dma_wait3A_45 = arith.constant 0 : i32
      %dma_wait3A_46 = tpu.memref_slice %arg8[%mul3A_34, %dma_wait3A_45] : memref<10112x176xf32, #tpu.memory_space<vmem_shared>> -> memref<624x128xf32, #tpu.memory_space<vmem_shared>>
      tpu.wait_dma2 semaphore(%run_scoped3A : memref<!tpu.dma_semaphore, #tpu.memory_space<semaphore_mem>>) src(%dma_wait3A_46 : memref<624x128xf32, #tpu.memory_space<vmem_shared>>) dst(%dma_wait3A_44 : memref<624x128xf32, #tpu.memory_space<hbm>>)
      tpu.yield
    }) : () -> ()
    "tpu.region"() ({
      %run_scoped3A = tpu.sem_alloc : memref<!tpu.dma_semaphore, #tpu.memory_space<semaphore_mem>>
      %dma_start3A_37 = arith.constant 0 : i32
      %dma_start3A_38 = tpu.memref_slice %arg7[%arg0, %mul3A_34, %dma_start3A_37] : memref<2x10000x48xf32, #tpu.memory_space<hbm>> -> memref<1x624x48xf32, #tpu.memory_space<hbm>>
      %dma_start3A_39 = tpu.memref_squeeze %dma_start3A_38 : memref<1x624x48xf32, #tpu.memory_space<hbm>> -> memref<624x48xf32, #tpu.memory_space<hbm>>
      %dma_start3A_40 = arith.constant 128 : i32
      %dma_start3A_41 = tpu.memref_slice %arg8[%mul3A_34, %dma_start3A_40] : memref<10112x176xf32, #tpu.memory_space<vmem_shared>> -> memref<624x48xf32, #tpu.memory_space<vmem_shared>>
      tpu.enqueue_dma source(%dma_start3A_41 : memref<624x48xf32, #tpu.memory_space<vmem_shared>>) target(%dma_start3A_39 : memref<624x48xf32, #tpu.memory_space<hbm>>) target_semaphore(%run_scoped3A : memref<!tpu.dma_semaphore, #tpu.memory_space<semaphore_mem>>)
      %dma_wait3A_42 = arith.constant 0 : i32
      %dma_wait3A_43 = tpu.memref_slice %arg7[%arg0, %mul3A_34, %dma_wait3A_42] : memref<2x10000x48xf32, #tpu.memory_space<hbm>> -> memref<1x624x48xf32, #tpu.memory_space<hbm>>
      %dma_wait3A_44 = tpu.memref_squeeze %dma_wait3A_43 : memref<1x624x48xf32, #tpu.memory_space<hbm>> -> memref<624x48xf32, #tpu.memory_space<hbm>>
      %dma_wait3A_45 = arith.constant 128 : i32
      %dma_wait3A_46 = tpu.memref_slice %arg8[%mul3A_34, %dma_wait3A_45] : memref<10112x176xf32, #tpu.memory_space<vmem_shared>> -> memref<624x48xf32, #tpu.memory_space<vmem_shared>>
      tpu.wait_dma2 semaphore(%run_scoped3A : memref<!tpu.dma_semaphore, #tpu.memory_space<semaphore_mem>>) src(%dma_wait3A_46 : memref<624x48xf32, #tpu.memory_space<vmem_shared>>) dst(%dma_wait3A_44 : memref<624x48xf32, #tpu.memory_space<hbm>>)
      tpu.yield
    }) : () -> ()
    %eq3A = arith.constant 0 : i32
    %eq3A_35 = arith.cmpi eq, %arg1, %eq3A : i32
    %convert_element_type3A = arith.extui %eq3A_35 : i1 to i32
    %cond3A = arith.constant 0 : i32
    %cond3A_36 = arith.cmpi ne, %convert_element_type3A, %cond3A : i32
    scf.if %cond3A_36 {
      "tpu.region"() ({
        %run_scoped3A = tpu.sem_alloc : memref<!tpu.dma_semaphore, #tpu.memory_space<semaphore_mem>>
        %dma_start3A_37 = arith.constant 9984 : i32
        %dma_start3A_38 = arith.constant 0 : i32
        %dma_start3A_39 = tpu.memref_slice %arg6[%arg0, %dma_start3A_37, %dma_start3A_38] : memref<2x10000x128xf32, #tpu.memory_space<hbm>> -> memref<1x16x128xf32, #tpu.memory_space<hbm>>
        %dma_start3A_40 = tpu.memref_squeeze %dma_start3A_39 : memref<1x16x128xf32, #tpu.memory_space<hbm>> -> memref<16x128xf32, #tpu.memory_space<hbm>>
        %dma_start3A_41 = arith.constant 9984 : i32
        %dma_start3A_42 = arith.constant 0 : i32
        %dma_start3A_43 = tpu.memref_slice %arg8[%dma_start3A_41, %dma_start3A_42] : memref<10112x176xf32, #tpu.memory_space<vmem_shared>> -> memref<16x128xf32, #tpu.memory_space<vmem_shared>>
        tpu.enqueue_dma source(%dma_start3A_43 : memref<16x128xf32, #tpu.memory_space<vmem_shared>>) target(%dma_start3A_40 : memref<16x128xf32, #tpu.memory_space<hbm>>) target_semaphore(%run_scoped3A : memref<!tpu.dma_semaphore, #tpu.memory_space<semaphore_mem>>)
        %dma_wait3A_44 = arith.constant 9984 : i32
        %dma_wait3A_45 = arith.constant 0 : i32
        %dma_wait3A_46 = tpu.memref_slice %arg6[%arg0, %dma_wait3A_44, %dma_wait3A_45] : memref<2x10000x128xf32, #tpu.memory_space<hbm>> -> memref<1x16x128xf32, #tpu.memory_space<hbm>>
        %dma_wait3A_47 = tpu.memref_squeeze %dma_wait3A_46 : memref<1x16x128xf32, #tpu.memory_space<hbm>> -> memref<16x128xf32, #tpu.memory_space<hbm>>
        %dma_wait3A_48 = arith.constant 9984 : i32
        %dma_wait3A_49 = arith.constant 0 : i32
        %dma_wait3A_50 = tpu.memref_slice %arg8[%dma_wait3A_48, %dma_wait3A_49] : memref<10112x176xf32, #tpu.memory_space<vmem_shared>> -> memref<16x128xf32, #tpu.memory_space<vmem_shared>>
        tpu.wait_dma2 semaphore(%run_scoped3A : memref<!tpu.dma_semaphore, #tpu.memory_space<semaphore_mem>>) src(%dma_wait3A_50 : memref<16x128xf32, #tpu.memory_space<vmem_shared>>) dst(%dma_wait3A_47 : memref<16x128xf32, #tpu.memory_space<hbm>>)
        tpu.yield
      }) : () -> ()
      "tpu.region"() ({
        %run_scoped3A = tpu.sem_alloc : memref<!tpu.dma_semaphore, #tpu.memory_space<semaphore_mem>>
        %dma_start3A_37 = arith.constant 9984 : i32
        %dma_start3A_38 = arith.constant 0 : i32
        %dma_start3A_39 = tpu.memref_slice %arg7[%arg0, %dma_start3A_37, %dma_start3A_38] : memref<2x10000x48xf32, #tpu.memory_space<hbm>> -> memref<1x16x48xf32, #tpu.memory_space<hbm>>
        %dma_start3A_40 = tpu.memref_squeeze %dma_start3A_39 : memref<1x16x48xf32, #tpu.memory_space<hbm>> -> memref<16x48xf32, #tpu.memory_space<hbm>>
        %dma_start3A_41 = arith.constant 9984 : i32
        %dma_start3A_42 = arith.constant 128 : i32
        %dma_start3A_43 = tpu.memref_slice %arg8[%dma_start3A_41, %dma_start3A_42] : memref<10112x176xf32, #tpu.memory_space<vmem_shared>> -> memref<16x48xf32, #tpu.memory_space<vmem_shared>>
        tpu.enqueue_dma source(%dma_start3A_43 : memref<16x48xf32, #tpu.memory_space<vmem_shared>>) target(%dma_start3A_40 : memref<16x48xf32, #tpu.memory_space<hbm>>) target_semaphore(%run_scoped3A : memref<!tpu.dma_semaphore, #tpu.memory_space<semaphore_mem>>)
        %dma_wait3A_44 = arith.constant 9984 : i32
        %dma_wait3A_45 = arith.constant 0 : i32
        %dma_wait3A_46 = tpu.memref_slice %arg7[%arg0, %dma_wait3A_44, %dma_wait3A_45] : memref<2x10000x48xf32, #tpu.memory_space<hbm>> -> memref<1x16x48xf32, #tpu.memory_space<hbm>>
        %dma_wait3A_47 = tpu.memref_squeeze %dma_wait3A_46 : memref<1x16x48xf32, #tpu.memory_space<hbm>> -> memref<16x48xf32, #tpu.memory_space<hbm>>
        %dma_wait3A_48 = arith.constant 9984 : i32
        %dma_wait3A_49 = arith.constant 128 : i32
        %dma_wait3A_50 = tpu.memref_slice %arg8[%dma_wait3A_48, %dma_wait3A_49] : memref<10112x176xf32, #tpu.memory_space<vmem_shared>> -> memref<16x48xf32, #tpu.memory_space<vmem_shared>>
        tpu.wait_dma2 semaphore(%run_scoped3A : memref<!tpu.dma_semaphore, #tpu.memory_space<semaphore_mem>>) src(%dma_wait3A_50 : memref<16x48xf32, #tpu.memory_space<vmem_shared>>) dst(%dma_wait3A_47 : memref<16x48xf32, #tpu.memory_space<hbm>>)
        tpu.yield
      }) : () -> ()
    } else {
    }
    return
  }
}

module attributes {stable_mosaic.version = 14 : i64} {
  func.func @_hext_body(%arg0: i32, %arg1: memref<1000x40xf32, #tpu.memory_space<vmem>>, %arg2: memref<1000x128xf32, #tpu.memory_space<vmem>>, %arg3: memref<1000x176xf32, #tpu.memory_space<vmem>>) attributes {dimension_semantics = [#tpu.dimension_semantics<arbitrary>], iteration_bounds = array<i64: 10>, scalar_prefetch = 0 : i64, scratch_operands = 0 : i64, tpu.core_type = #tpu.core_type<tc>, window_params = [{transform_indices = @transform_0, window_bounds = array<i64: 1000, 40>}, {transform_indices = @transform_1, window_bounds = array<i64: 1000, 128>}, {transform_indices = @transform_2, window_bounds = array<i64: 1000, 176>}]} {
    %get3A = arith.constant 0 : index
    %get3A_0 = arith.constant 0 : index
    %get3A_1 = vector.load %arg1[%get3A, %get3A_0] : memref<1000x40xf32, #tpu.memory_space<vmem>>, vector<1000x40xf32>
    %get3A_2 = arith.constant 0 : index
    %get3A_3 = arith.constant 0 : index
    %get3A_4 = vector.load %arg2[%get3A_2, %get3A_3] : memref<1000x128xf32, #tpu.memory_space<vmem>>, vector<1000x128xf32>
    %reduce_max3A = arith.constant dense<0xFF800000> : vector<1000xf32>
    %reduce_max3A_5 = vector.multi_reduction <maximumf>, %get3A_1, %reduce_max3A [1] : vector<1000x40xf32> to vector<1000xf32>
    %broadcast_in_dim3A = vector.shape_cast %reduce_max3A_5 : vector<1000xf32> to vector<1000x1xf32>
    %iota3A = tpu.iota {dimensions = array<i32: 1>} : vector<1000x40xi32>
    %eq3A = vector.broadcast %broadcast_in_dim3A : vector<1000x1xf32> to vector<1000x40xf32>
    %eq3A_6 = arith.cmpf oeq, %get3A_1, %eq3A : vector<1000x40xf32>
    %jit3A = arith.constant 40 : i32
    %broadcast_in_dim3A_7 = vector.broadcast %jit3A : i32 to vector<1000x40xi32>
    %select_n3A = arith.select %eq3A_6, %iota3A, %broadcast_in_dim3A_7 : vector<1000x40xi1>, vector<1000x40xi32>
    %reduce_min3A = arith.constant dense<2147483647> : vector<1000xi32>
    %reduce_min3A_8 = vector.multi_reduction <minsi>, %select_n3A, %reduce_min3A [1] : vector<1000x40xi32> to vector<1000xi32>
    %broadcast_in_dim3A_9 = vector.shape_cast %reduce_min3A_8 : vector<1000xi32> to vector<1000x1xi32>
    %iota3A_10 = tpu.iota {dimensions = array<i32: 1>} : vector<1000x48xi32>
    %eq3A_11 = vector.broadcast %broadcast_in_dim3A_9 : vector<1000x1xi32> to vector<1000x48xi32>
    %eq3A_12 = arith.cmpi eq, %iota3A_10, %eq3A_11 : vector<1000x48xi32>
    %convert_element_type3A = arith.extui %eq3A_12 : vector<1000x48xi1> to vector<1000x48xi32>
    %convert_element_type3A_13 = arith.sitofp %convert_element_type3A : vector<1000x48xi32> to vector<1000x48xf32>
    %concatenate3A = tpu.concatenate %get3A_4, %convert_element_type3A_13 in 1 : vector<1000x128xf32>, vector<1000x48xf32> -> vector<1000x176xf32>
    %swap3A = arith.constant 0 : index
    %swap3A_14 = arith.constant 0 : index
    %swap3A_15 = vector.load %arg3[%swap3A, %swap3A_14] : memref<1000x176xf32, #tpu.memory_space<vmem>>, vector<1000x176xf32>
    tpu.vector_store %arg3[%swap3A, %swap3A_14], %concatenate3A {strides = array<i32>} : memref<1000x176xf32, #tpu.memory_space<vmem>>, vector<1000x176xf32>,
    return
  }
  func.func @transform_0(%arg0: i32) -> (i32, i32) {
    %c0_i32 = arith.constant 0 : i32
    %c0_i32_0 = arith.constant 0 : i32
    return %arg0, %c0_i32 : i32, i32
  }
  func.func @transform_1(%arg0: i32) -> (i32, i32) {
    %c0_i32 = arith.constant 0 : i32
    %c0_i32_0 = arith.constant 0 : i32
    return %arg0, %c0_i32 : i32, i32
  }
  func.func @transform_2(%arg0: i32) -> (i32, i32) {
    %c0_i32 = arith.constant 0 : i32
    %c0_i32_0 = arith.constant 0 : i32
    return %arg0, %c0_i32 : i32, i32
  }
}

module attributes {stable_mosaic.version = 14 : i64} {
  func.func @_gate_body(%arg0: memref<2x10000x48xf32, #tpu.memory_space<vmem>>, %arg1: memref<10000x48xf32, #tpu.memory_space<vmem>>, %arg2: memref<10000x1xf32, #tpu.memory_space<vmem>>, %arg3: memref<1x1xf32, #tpu.memory_space<vmem>>, %arg4: memref<1x1xf32, #tpu.memory_space<vmem>>, %arg5: memref<10000x1xf32, #tpu.memory_space<vmem>>, %arg6: memref<10000x1xf32, #tpu.memory_space<vmem>>) attributes {dimension_semantics = [], scalar_prefetch = 0 : i64, scratch_operands = 0 : i64, tpu.core_type = #tpu.core_type<tc>} {
    %get3A = arith.constant 0 : index
    %get3A_0 = arith.constant 0 : index
    %get3A_1 = arith.constant 0 : index
    %get3A_2 = vector.load %arg0[%get3A, %get3A_0, %get3A_1] : memref<2x10000x48xf32, #tpu.memory_space<vmem>>, vector<1x10000x48xf32>
    %get3A_3 = vector.shape_cast %get3A_2 : vector<1x10000x48xf32> to vector<10000x48xf32>
    %get3A_4 = arith.constant 1 : index
    %get3A_5 = arith.constant 0 : index
    %get3A_6 = arith.constant 0 : index
    %get3A_7 = vector.load %arg0[%get3A_4, %get3A_5, %get3A_6] : memref<2x10000x48xf32, #tpu.memory_space<vmem>>, vector<1x10000x48xf32>
    %get3A_8 = vector.shape_cast %get3A_7 : vector<1x10000x48xf32> to vector<10000x48xf32>
    %add3A = arith.addf %get3A_3, %get3A_8 : vector<10000x48xf32>
    %get3A_9 = arith.constant 0 : index
    %get3A_10 = arith.constant 0 : index
    %get3A_11 = vector.load %arg1[%get3A_9, %get3A_10] : memref<10000x48xf32, #tpu.memory_space<vmem>>, vector<10000x48xf32>
    %reduce_sum3A = arith.constant dense<0.000000e+00> : vector<10000xf32>
    %reduce_sum3A_12 = vector.multi_reduction <add>, %add3A, %reduce_sum3A [1] : vector<10000x48xf32> to vector<10000xf32>
    %broadcast_in_dim3A = vector.shape_cast %reduce_sum3A_12 : vector<10000xf32> to vector<10000x1xf32>
    %mul3A = arith.mulf %add3A, %get3A_11 : vector<10000x48xf32>
    %reduce_sum3A_13 = arith.constant dense<0.000000e+00> : vector<10000xf32>
    %reduce_sum3A_14 = vector.multi_reduction <add>, %mul3A, %reduce_sum3A_13 [1] : vector<10000x48xf32> to vector<10000xf32>
    %broadcast_in_dim3A_15 = vector.shape_cast %reduce_sum3A_14 : vector<10000xf32> to vector<10000x1xf32>
    %div3A = arith.divf %broadcast_in_dim3A_15, %broadcast_in_dim3A : vector<10000x1xf32>
    %reduce_sum3A_16 = arith.constant dense<0.000000e+00> : vector<48xf32>
    %reduce_sum3A_17 = vector.multi_reduction <add>, %add3A, %reduce_sum3A_16 [0] : vector<10000x48xf32> to vector<48xf32>
    %broadcast_in_dim3A_18 = vector.shape_cast %reduce_sum3A_17 : vector<48xf32> to vector<1x48xf32>
    %gt3A = arith.constant 0.000000e+00 : f32
    %gt3A_19 = vector.broadcast %gt3A : f32 to vector<1x48xf32>
    %gt3A_20 = arith.cmpf ogt, %broadcast_in_dim3A_18, %gt3A_19 : vector<1x48xf32>
    %div3A_21 = vector.broadcast %broadcast_in_dim3A : vector<10000x1xf32> to vector<10000x48xf32>
    %div3A_22 = arith.divf %add3A, %div3A_21 : vector<10000x48xf32>
    %jit3A = arith.constant 9.99999974E-6 : f32
    %max3A = vector.broadcast %jit3A : f32 to vector<10000x48xf32>
    %max3A_23 = arith.maximumf %max3A, %div3A_22 : vector<10000x48xf32>
    %log3A = math.log %max3A_23 : vector<10000x48xf32>
    %mul3A_24 = arith.mulf %max3A_23, %log3A : vector<10000x48xf32>
    %jit3A_25 = arith.constant 0.000000e+00 : f32
    %broadcast_in_dim3A_26 = vector.shape_cast %gt3A_20 : vector<1x48xi1> to vector<1x48xi1>
    %broadcast_in_dim3A_27 = vector.broadcast %broadcast_in_dim3A_26 : vector<1x48xi1> to vector<10000x48xi1>
    %broadcast_in_dim3A_28 = vector.broadcast %jit3A_25 : f32 to vector<10000x48xf32>
    %select_n3A = arith.select %broadcast_in_dim3A_27, %mul3A_24, %broadcast_in_dim3A_28 : vector<10000x48xi1>, vector<10000x48xf32>
    %reduce_sum3A_29 = arith.constant dense<0.000000e+00> : vector<10000xf32>
    %reduce_sum3A_30 = vector.multi_reduction <add>, %select_n3A, %reduce_sum3A_29 [1] : vector<10000x48xf32> to vector<10000xf32>
    %broadcast_in_dim3A_31 = vector.shape_cast %reduce_sum3A_30 : vector<10000xf32> to vector<10000x1xf32>
    %neg3A = arith.constant 0.000000e+00 : f32
    %neg3A_32 = vector.broadcast %neg3A : f32 to vector<10000x1xf32>
    %neg3A_33 = arith.subf %neg3A_32, %broadcast_in_dim3A_31 : vector<10000x1xf32>
    %reduce_sum3A_34 = vector.shape_cast %div3A : vector<10000x1xf32> to vector<1x10000x1xf32>
    %reduce_sum3A_35 = arith.constant dense<0.000000e+00> : vector<1xf32>
    %reduce_sum3A_36 = vector.multi_reduction <add>, %reduce_sum3A_34, %reduce_sum3A_35 [1, 2] : vector<1x10000x1xf32> to vector<1xf32>
    %reduce_sum3A_37 = vector.shape_cast %reduce_sum3A_36 : vector<1xf32> to vector<1x1x1xf32>
    %reduce_sum3A_38 = vector.extract %reduce_sum3A_37[0, 0, 0] : f32 from vector<1x1x1xf32>
    %div3A_39 = arith.constant 1.000000e+04 : f32
    %div3A_40 = arith.divf %reduce_sum3A_38, %div3A_39 : f32
    %sub3A = vector.broadcast %div3A_40 : f32 to vector<10000x1xf32>
    %sub3A_41 = arith.subf %div3A, %sub3A : vector<10000x1xf32>
    %integer_pow3A = arith.mulf %sub3A_41, %sub3A_41 : vector<10000x1xf32>
    %reduce_sum3A_42 = vector.shape_cast %integer_pow3A : vector<10000x1xf32> to vector<1x10000x1xf32>
    %reduce_sum3A_43 = arith.constant dense<0.000000e+00> : vector<1xf32>
    %reduce_sum3A_44 = vector.multi_reduction <add>, %reduce_sum3A_42, %reduce_sum3A_43 [1, 2] : vector<1x10000x1xf32> to vector<1xf32>
    %reduce_sum3A_45 = vector.shape_cast %reduce_sum3A_44 : vector<1xf32> to vector<1x1x1xf32>
    %reduce_sum3A_46 = vector.extract %reduce_sum3A_45[0, 0, 0] : f32 from vector<1x1x1xf32>
    %div3A_47 = arith.constant 1.000000e+04 : f32
    %div3A_48 = arith.divf %reduce_sum3A_46, %div3A_47 : f32
    %sub3A_49 = vector.broadcast %div3A_40 : f32 to vector<10000x1xf32>
    %sub3A_50 = arith.subf %div3A, %sub3A_49 : vector<10000x1xf32>
    %add3A_51 = arith.constant 9.99999974E-6 : f32
    %add3A_52 = arith.addf %div3A_48, %add3A_51 : f32
    %sqrt3A = math.sqrt %add3A_52 : f32
    %div3A_53 = vector.broadcast %sqrt3A : f32 to vector<10000x1xf32>
    %div3A_54 = arith.divf %sub3A_50, %div3A_53 : vector<10000x1xf32>
    %reduce_sum3A_55 = vector.shape_cast %neg3A_33 : vector<10000x1xf32> to vector<1x10000x1xf32>
    %reduce_sum3A_56 = arith.constant dense<0.000000e+00> : vector<1xf32>
    %reduce_sum3A_57 = vector.multi_reduction <add>, %reduce_sum3A_55, %reduce_sum3A_56 [1, 2] : vector<1x10000x1xf32> to vector<1xf32>
    %reduce_sum3A_58 = vector.shape_cast %reduce_sum3A_57 : vector<1xf32> to vector<1x1x1xf32>
    %reduce_sum3A_59 = vector.extract %reduce_sum3A_58[0, 0, 0] : f32 from vector<1x1x1xf32>
    %div3A_60 = arith.constant 1.000000e+04 : f32
    %div3A_61 = arith.divf %reduce_sum3A_59, %div3A_60 : f32
    %sub3A_62 = vector.broadcast %div3A_61 : f32 to vector<10000x1xf32>
    %sub3A_63 = arith.subf %neg3A_33, %sub3A_62 : vector<10000x1xf32>
    %integer_pow3A_64 = arith.mulf %sub3A_63, %sub3A_63 : vector<10000x1xf32>
    %reduce_sum3A_65 = vector.shape_cast %integer_pow3A_64 : vector<10000x1xf32> to vector<1x10000x1xf32>
    %reduce_sum3A_66 = arith.constant dense<0.000000e+00> : vector<1xf32>
    %reduce_sum3A_67 = vector.multi_reduction <add>, %reduce_sum3A_65, %reduce_sum3A_66 [1, 2] : vector<1x10000x1xf32> to vector<1xf32>
    %reduce_sum3A_68 = vector.shape_cast %reduce_sum3A_67 : vector<1xf32> to vector<1x1x1xf32>
    %reduce_sum3A_69 = vector.extract %reduce_sum3A_68[0, 0, 0] : f32 from vector<1x1x1xf32>
    %div3A_70 = arith.constant 1.000000e+04 : f32
    %div3A_71 = arith.divf %reduce_sum3A_69, %div3A_70 : f32
    %sub3A_72 = vector.broadcast %div3A_61 : f32 to vector<10000x1xf32>
    %sub3A_73 = arith.subf %neg3A_33, %sub3A_72 : vector<10000x1xf32>
    %add3A_74 = arith.constant 9.99999974E-6 : f32
    %add3A_75 = arith.addf %div3A_71, %add3A_74 : f32
    %sqrt3A_76 = math.sqrt %add3A_75 : f32
    %div3A_77 = vector.broadcast %sqrt3A_76 : f32 to vector<10000x1xf32>
    %div3A_78 = arith.divf %sub3A_73, %div3A_77 : vector<10000x1xf32>
    %get3A_79 = arith.constant 0 : index
    %get3A_80 = arith.constant 0 : index
    %get3A_81 = vector.load %arg3[%get3A_79, %get3A_80] : memref<1x1xf32, #tpu.memory_space<vmem>>, vector<1x1xf32>
    %get3A_82 = vector.extract %get3A_81[0, 0] : f32 from vector<1x1xf32>
    %get3A_83 = arith.constant 0 : index
    %get3A_84 = arith.constant 0 : index
    %get3A_85 = vector.load %arg4[%get3A_83, %get3A_84] : memref<1x1xf32, #tpu.memory_space<vmem>>, vector<1x1xf32>
    %get3A_86 = vector.extract %get3A_85[0, 0] : f32 from vector<1x1xf32>
    %sub3A_87 = vector.broadcast %get3A_82 : f32 to vector<10000x1xf32>
    %sub3A_88 = arith.subf %div3A_54, %sub3A_87 : vector<10000x1xf32>
    %neg3A_89 = arith.constant 0.000000e+00 : f32
    %neg3A_90 = vector.broadcast %neg3A_89 : f32 to vector<10000x1xf32>
    %neg3A_91 = arith.subf %neg3A_90, %sub3A_88 : vector<10000x1xf32>
    %logistic3A = arith.negf %neg3A_91 : vector<10000x1xf32>
    %logistic3A_92 = math.exp %logistic3A : vector<10000x1xf32>
    %logistic3A_93 = arith.constant 1.000000e+00 : f32
    %logistic3A_94 = vector.broadcast %logistic3A_93 : f32 to vector<10000x1xf32>
    %logistic3A_95 = arith.addf %logistic3A_94, %logistic3A_92 : vector<10000x1xf32>
    %logistic3A_96 = arith.divf %logistic3A_94, %logistic3A_95 : vector<10000x1xf32>
    %sub3A_97 = vector.broadcast %get3A_86 : f32 to vector<10000x1xf32>
    %sub3A_98 = arith.subf %div3A_78, %sub3A_97 : vector<10000x1xf32>
    %neg3A_99 = arith.constant 0.000000e+00 : f32
    %neg3A_100 = vector.broadcast %neg3A_99 : f32 to vector<10000x1xf32>
    %neg3A_101 = arith.subf %neg3A_100, %sub3A_98 : vector<10000x1xf32>
    %logistic3A_102 = arith.negf %neg3A_101 : vector<10000x1xf32>
    %logistic3A_103 = math.exp %logistic3A_102 : vector<10000x1xf32>
    %logistic3A_104 = arith.constant 1.000000e+00 : f32
    %logistic3A_105 = vector.broadcast %logistic3A_104 : f32 to vector<10000x1xf32>
    %logistic3A_106 = arith.addf %logistic3A_105, %logistic3A_103 : vector<10000x1xf32>
    %logistic3A_107 = arith.divf %logistic3A_105, %logistic3A_106 : vector<10000x1xf32>
    %mul3A_108 = arith.mulf %logistic3A_96, %logistic3A_107 : vector<10000x1xf32>
    %swap3A = arith.constant 0 : index
    %swap3A_109 = arith.constant 0 : index
    %swap3A_110 = vector.load %arg5[%swap3A, %swap3A_109] : memref<10000x1xf32, #tpu.memory_space<vmem>>, vector<10000x1xf32>
    tpu.vector_store %arg5[%swap3A, %swap3A_109], %mul3A_108 {strides = array<i32>} : memref<10000x1xf32, #tpu.memory_space<vmem>>, vector<10000x1xf32>,
    %get3A_111 = arith.constant 0 : index
    %get3A_112 = arith.constant 0 : index
    %get3A_113 = vector.load %arg2[%get3A_111, %get3A_112] : memref<10000x1xf32, #tpu.memory_space<vmem>>, vector<10000x1xf32>
    %min3A = arith.minimumf %get3A_113, %mul3A_108 : vector<10000x1xf32>
    %swap3A_114 = arith.constant 0 : index
    %swap3A_115 = arith.constant 0 : index
    %swap3A_116 = vector.load %arg6[%swap3A_114, %swap3A_115] : memref<10000x1xf32, #tpu.memory_space<vmem>>, vector<10000x1xf32>
    tpu.vector_store %arg6[%swap3A_114, %swap3A_115], %min3A {strides = array<i32>} : memref<10000x1xf32, #tpu.memory_space<vmem>>, vector<10000x1xf32>,
    return
  }
}

module attributes {stable_mosaic.version = 14 : i64} {
  func.func @_newh_body(%arg0: i32, %arg1: memref<1000x128xf32, #tpu.memory_space<vmem>>, %arg2: memref<2x1000x128xf32, #tpu.memory_space<vmem>>, %arg3: memref<1000x1xf32, #tpu.memory_space<vmem>>, %arg4: memref<1000x1xf32, #tpu.memory_space<vmem>>, %arg5: memref<1000x128xf32, #tpu.memory_space<vmem>>) attributes {dimension_semantics = [#tpu.dimension_semantics<arbitrary>], iteration_bounds = array<i64: 10>, scalar_prefetch = 0 : i64, scratch_operands = 0 : i64, tpu.core_type = #tpu.core_type<tc>, window_params = [{transform_indices = @transform_0, window_bounds = array<i64: 1000, 128>}, {transform_indices = @transform_1, window_bounds = array<i64: 2, 1000, 128>}, {transform_indices = @transform_2, window_bounds = array<i64: 1000, 1>}, {transform_indices = @transform_3, window_bounds = array<i64: 1000, 1>}, {transform_indices = @transform_4, window_bounds = array<i64: 1000, 128>}]} {
    %get3A = arith.constant 0 : index
    %get3A_0 = arith.constant 0 : index
    %get3A_1 = arith.constant 0 : index
    %get3A_2 = vector.load %arg2[%get3A, %get3A_0, %get3A_1] : memref<2x1000x128xf32, #tpu.memory_space<vmem>>, vector<1x1000x128xf32>
    %get3A_3 = vector.shape_cast %get3A_2 : vector<1x1000x128xf32> to vector<1000x128xf32>
    %get3A_4 = arith.constant 1 : index
    %get3A_5 = arith.constant 0 : index
    %get3A_6 = arith.constant 0 : index
    %get3A_7 = vector.load %arg2[%get3A_4, %get3A_5, %get3A_6] : memref<2x1000x128xf32, #tpu.memory_space<vmem>>, vector<1x1000x128xf32>
    %get3A_8 = vector.shape_cast %get3A_7 : vector<1x1000x128xf32> to vector<1000x128xf32>
    %add3A = arith.addf %get3A_3, %get3A_8 : vector<1000x128xf32>
    %get3A_9 = arith.constant 0 : index
    %get3A_10 = arith.constant 0 : index
    %get3A_11 = vector.load %arg4[%get3A_9, %get3A_10] : memref<1000x1xf32, #tpu.memory_space<vmem>>, vector<1000x1xf32>
    %mul3A = vector.broadcast %get3A_11 : vector<1000x1xf32> to vector<1000x128xf32>
    %mul3A_12 = arith.mulf %add3A, %mul3A : vector<1000x128xf32>
    %max3A = arith.constant 0.000000e+00 : f32
    %max3A_13 = vector.broadcast %max3A : f32 to vector<1000x128xf32>
    %max3A_14 = arith.maximumf %mul3A_12, %max3A_13 : vector<1000x128xf32>
    %get3A_15 = arith.constant 0 : index
    %get3A_16 = arith.constant 0 : index
    %get3A_17 = vector.load %arg1[%get3A_15, %get3A_16] : memref<1000x128xf32, #tpu.memory_space<vmem>>, vector<1000x128xf32>
    %get3A_18 = arith.constant 0 : index
    %get3A_19 = arith.constant 0 : index
    %get3A_20 = vector.load %arg3[%get3A_18, %get3A_19] : memref<1000x1xf32, #tpu.memory_space<vmem>>, vector<1000x1xf32>
    %mul3A_21 = vector.broadcast %get3A_20 : vector<1000x1xf32> to vector<1000x128xf32>
    %mul3A_22 = arith.mulf %mul3A_21, %max3A_14 : vector<1000x128xf32>
    %add3A_23 = arith.addf %get3A_17, %mul3A_22 : vector<1000x128xf32>
    %swap3A = arith.constant 0 : index
    %swap3A_24 = arith.constant 0 : index
    %swap3A_25 = vector.load %arg5[%swap3A, %swap3A_24] : memref<1000x128xf32, #tpu.memory_space<vmem>>, vector<1000x128xf32>
    tpu.vector_store %arg5[%swap3A, %swap3A_24], %add3A_23 {strides = array<i32>} : memref<1000x128xf32, #tpu.memory_space<vmem>>, vector<1000x128xf32>,
    return
  }
  func.func @transform_0(%arg0: i32) -> (i32, i32) {
    %c0_i32 = arith.constant 0 : i32
    %c0_i32_0 = arith.constant 0 : i32
    return %arg0, %c0_i32 : i32, i32
  }
  func.func @transform_1(%arg0: i32) -> (i32, i32, i32) {
    %c0_i32 = arith.constant 0 : i32
    %c0_i32_0 = arith.constant 0 : i32
    %c0_i32_1 = arith.constant 0 : i32
    return %c0_i32, %arg0, %c0_i32_0 : i32, i32, i32
  }
  func.func @transform_2(%arg0: i32) -> (i32, i32) {
    %c0_i32 = arith.constant 0 : i32
    %c0_i32_0 = arith.constant 0 : i32
    return %arg0, %c0_i32 : i32, i32
  }
  func.func @transform_3(%arg0: i32) -> (i32, i32) {
    %c0_i32 = arith.constant 0 : i32
    %c0_i32_0 = arith.constant 0 : i32
    return %arg0, %c0_i32 : i32, i32
  }
  func.func @transform_4(%arg0: i32) -> (i32, i32) {
    %c0_i32 = arith.constant 0 : i32
    %c0_i32_0 = arith.constant 0 : i32
    return %arg0, %c0_i32 : i32, i32
  }
}

</mosaic_0001>

<sc_bundles>
// kernel: kernel.6.cloned.1.call-start
scs
__scs_entry_jumppad:
0x0: {  	(pc) =	sbr.rel $0x88, $3  }
0x1: {  	(tag) =	ssettag $0x0;
	lr =	simm.s32 $0x1  }
0x2: {  	[smem:$0x3F9A] =	sst lr;
	_ =	strace $0xD0000000  }
0x3: {  	_ = 	snop  }
0x4: {  	_ = 	snop  }
0x5: {  	_ = 	snop  }
0x6: {  	_ = 	snop  }
0x7: {  	_ = 	snop  }
__scs_overlays_trampoline_lowered:
0x8: {  	[smem:$0x3FA9] =	sst s0  }
0x9: {  	[smem:$0x3FAA] =	sst s1  }
0xa: {  	[smem:$0x3FAB] =	sst s2  }
0xb: {  	[smem:$0x3FAC] =	sst s3  }
0xc: {  	[smem:$0x3FAD] =	sst s4  }
0xd: {  	[smem:$0x3FAE] =	sst s5  }
0xe: {  	[smem:$0x3FAF] =	sst s6  }
0xf: {  	[smem:$0x3FB0] =	sst s7  }
0x10: {  	[smem:$0x3FB1] =	sst s8  }
0x11: {  	[smem:$0x3FB2] =	sst s9;
	s0 =	simm.s32 @!p0 $0x0  }
0x12: {  	s1 =	sld [smem:$0x3F98];
	s0 =	simm.s32 @p0 $0x1  }
0x13: {  	[smem:$0x3FB3] =	sst s0;
	s0 =	simm.s32 @!p1 $0x0  }
0x14: {  	s2 =	sld [smem:$0x3F97];
	s0 =	simm.s32 @p1 $0x1  }
0x15: {  	[smem:$0x3FB4] =	sst s0;
	s0 =	simm.s32 @!p2 $0x0  }
0x16: {  	s3 =	sld [smem:$0x3FDB];
	s0 =	simm.s32 @p2 $0x1  }
0x17: {  	s4 =	simm.s32 $0x1BF5;
	[smem:$0x3FB6] =	sst s0  }
0x18: {  	s0 =	sld [smem:$0x3F99];
	_ =	swait.ge [sflag:s4], $0x0  }
0x19: {  	s7 =	sld [smem:$0x3F9A]  }
0x1a: {  	s8 =	sadd.s32 $0xFFFFE003, lr  }
0x1b: {  	s9 =	sadd.s32 $0xFFFFFEF7, lr;
	s5 =	simm.s32 $0xFFFFFFFF;
	p2 =	slt.u32 s8, $0xFFFFF086  }
0x1c: {  	p1 =	slt.u32 s9, $0xF7A;
	s5 =	simm.s32 @!p2 $0x0  }
0x1d: {  	s5 =	simm.s32 @p1 $0x1;
	p0 =	seq.s32 s7, s2  }
0x1e: {  	s7 =	smul.u32 @!p0 $0xF7A, s2;
	p2 =	seq.s32 @!p0 s5, $0x0  }
0x1f: {  	s9 =	smul.u32 $0xF7A, s1;
	s8 =	simm.s32 @!p0 $0x1BF5;
	p2 =	por !p2, p0  }
0x20: {  	[sflag:s8] =	ssyncset.s32 @!p0 $0xFFFFF086;
	s6 =	sadd.s32 @!p0 s3, s7;
	s7 =	simm.s32 @!p0 $0x108  }
0x21: {  	s3 =	sadd.s32 s3, s9;
	s6 =	sadd.s32 @!p0 $0x88, s6;
	s7 =	simm.s32 @p2 $0x1082  }
0x22: {  	[simem:s7], [sflag:s8] =	dma.local @!p0 [hbm:s6], $0xF7A  }
0x23: {  	s9 =	sor.u32 $0xD0000000, s2;
	s6 =	simm.s32 $0x108;
	_ =	swait.ge @!p0 [sflag:s8], $0x0  }
0x24: {  	s3 =	sadd.s32 $0x88, s3;
	s6 =	simm.s32 @!p1 $0x1082;
	[sflag:s4] =	ssyncset.s32 $0xFFFFF086  }
0x25: {  	[simem:s6], [sflag:s4] =	dma.local [hbm:s3], $0xF7A  }
0x26: {  	[smem:$0x3F9A] =	sst s1;
	(tag) =	ssettag s2;
	_ =	strace s9  }
0x27: {  	s1 =	sld [smem:$0x3FAA]  }
0x28: {  	s2 =	sld [smem:$0x3FAB]  }
0x29: {  	s4 =	sld [smem:$0x3FAD]  }
0x2a: {  	p0 =	seq.s32 s5, $0x0;
	s5 =	sld [smem:$0x3FAE]  }
0x2b: {  	s6 =	sld [smem:$0x3FAF]  }
0x2c: {  	s7 =	sld [smem:$0x3FB0]  }
0x2d: {  	s3 =	simm.s32 $0x108;
	s8 =	sld [smem:$0x3FB1]  }
0x2e: {  	s3 =	simm.s32 @!p0 $0x1082;
	s9 =	sld [smem:$0x3FB2]  }
0x2f: {  	lr =	sadd.s32 s0, s3;
	s0 =	sld [smem:$0x3FA9]  }
0x30: {  	s3 =	sld [smem:$0x3FAC]  }
0x31: {  	[smem:$0x3FB5] =	sst s10  }
0x32: {  	s10 =	sld [smem:$0x3FB3];
	_ =	sdelay $0x3  }
0x33: {  	p0 =	seq.s32 s10, $0x1;
	s10 =	sld [smem:$0x3FB5];
	_ =	sdelay $0x3  }
0x34: {  	[smem:$0x3FB5] =	sst s10  }
0x35: {  	s10 =	sld [smem:$0x3FB4];
	_ =	sdelay $0x3  }
0x36: {  	p1 =	seq.s32 s10, $0x1;
	s10 =	sld [smem:$0x3FB5];
	_ =	sdelay $0x3  }
0x37: {  	[smem:$0x3FB5] =	sst s10  }
0x38: {  	s10 =	sld [smem:$0x3FB6]  }
0x39: {  	_ = 	snop;
	(pc) =	sbr.ind lr, $3  }
0x3a: {  	_ = 	snop  }
0x3b: {  	_ = 	snop  }
0x3c: {  	p2 =	seq.s32 s10, $0x1;
	s10 =	sld [smem:$0x3FB5]  }
0x3d: {  	_ =	shalt  }
0x3e: {  	_ =	shalt  }
0x3f: {  	_ =	shalt  }
0x40: {  	_ =	shalt  }
0x41: {  	_ =	shalt  }
0x42: {  	_ =	shalt  }
0x43: {  	_ =	shalt  }
0x44: {  	_ =	shalt  }
0x45: {  	_ =	shalt  }
0x46: {  	_ =	shalt  }
0x47: {  	_ =	shalt  }
0x48: {  	_ =	shalt  }
0x49: {  	_ =	shalt  }
0x4a: {  	_ =	shalt  }
0x4b: {  	_ =	shalt  }
0x4c: {  	_ =	shalt  }
0x4d: {  	_ =	shalt  }
0x4e: {  	_ =	shalt  }
0x4f: {  	_ =	shalt  }
0x50: {  	_ =	shalt  }
0x51: {  	_ =	shalt  }
0x52: {  	_ =	shalt  }
0x53: {  	_ =	shalt  }
0x54: {  	_ =	shalt  }
0x55: {  	_ =	shalt  }
0x56: {  	_ =	shalt  }
0x57: {  	_ =	shalt  }
0x58: {  	_ =	shalt  }
0x59: {  	_ =	shalt  }
0x5a: {  	_ =	shalt  }
0x5b: {  	_ =	shalt  }
0x5c: {  	_ =	shalt  }
0x5d: {  	_ =	shalt  }
0x5e: {  	_ =	shalt  }
0x5f: {  	_ =	shalt  }
0x60: {  	_ =	shalt  }
0x61: {  	_ =	shalt  }
0x62: {  	_ =	shalt  }
0x63: {  	_ =	shalt  }
0x64: {  	_ =	shalt  }
0x65: {  	_ =	shalt  }
0x66: {  	_ =	shalt  }
0x67: {  	_ =	shalt  }
0x68: {  	_ =	shalt  }
0x69: {  	_ =	shalt  }
0x6a: {  	_ =	shalt  }
0x6b: {  	_ =	shalt  }
0x6c: {  	_ =	shalt  }
0x6d: {  	_ =	shalt  }
0x6e: {  	_ =	shalt  }
0x6f: {  	_ =	shalt  }
0x70: {  	_ =	shalt  }
0x71: {  	_ =	shalt  }
0x72: {  	_ =	shalt  }
0x73: {  	_ =	shalt  }
0x74: {  	_ =	shalt  }
0x75: {  	_ =	shalt  }
0x76: {  	_ =	shalt  }
0x77: {  	_ =	shalt  }
0x78: {  	_ =	shalt  }
0x79: {  	_ =	shalt  }
0x7a: {  	_ =	shalt  }
0x7b: {  	_ =	shalt  }
0x7c: {  	_ =	shalt  }
0x7d: {  	_ =	shalt  }
0x7e: {  	_ =	shalt  }
0x7f: {  	_ =	shalt  }
0x80: {  	_ =	shalt  }
0x81: {  	_ =	shalt  }
0x82: {  	_ =	shalt  }
0x83: {  	_ =	shalt  }
0x84: {  	_ =	shalt  }
0x85: {  	_ =	shalt  }
0x86: {  	_ =	shalt  }
0x87: {  	_ =	shalt  }
.Lfunc_end0:
.L_simem_size_0:
called_computation_lowered:
.L_overlay_start_0:
0x88: {  	s2 =	sld [smem:$0x3FD9]  }
0x89: {  	s3 =	sld [smem:$0x3FFE];
	_ =	sdelay $0x1  }
0x8a: {  	s1 =	srdreg.scid  }
0x8b: {  	s0 =	sand.u32 $0x1, s1  }
0x8c: {  	s14 =	sshll.u32 s0, $0xA;
	s2 =	sadd.s32 s3, s2  }
0x8d: {  	s2 =	sadd.s32 s2, s14  }
0x8e: {  	[smem:$0x3FC1] =	sst s2  }
0x8f: {  	_ = 	snop  }
0x90: {  	s2 =	sld [smem:$0x3FD0];
	_ =	sdelay $0x2  }
0x91: {  	s15 =	simm.s32 $0xA;
	s4 =	simm.s32 $0x10  }
0x92: {  	[smem:s4], [sflag:s15] =	dma.local [hbm:s2], $0x1  }
0x93: {  	_ =	swait.eq [sflag:s15], $0x1  }
0x94: {  	[sflag:s15] =	ssyncset.done $0x0  }
0x95: {  	[sflag:s15] =	ssyncadd.s32 $0xFFFFFFFF  }
0x96: {  	s16 =	sld [smem:$0x10];
	(tm) =	ssettm $0x1  }
0x97: {  	s17 =	sld [smem:$0x3FFB];
	_ =	sdelay $0x3  }
0x98: {  	_ =	strace s17  }
0x99: {  	s3 =	sld [smem:$0x3FFC];
	_ =	sdelay $0x3  }
0x9a: {  	_ =	strace s3  }
0x9b: {  	s3 =	sld [smem:$0x3FFD];
	_ =	sdelay $0x3  }
0x9c: {  	_ =	strace s3  }
0x9d: {  	_ =	strace $0x8FFFFFFF  }
0x9e: {  	s18 =	sld [smem:$0x3FDB];
	_ =	sdelay $0x1  }
0x9f: {  	s19 =	simm.s32 $_scs_section_size  }
0xa0: {  	s5 =	simm.s32 $_size__tile_overlayer_lowered;
	s6 =	simm.s32 $_tile_overlayer_lowered  }
0xa1: {  	s22 =	simm.s32 $0x1BFF;
	s21 =	sshll.u32 s6, $0x1;
	s3 =	sadd.s32 s19, s18  }
0xa2: {  	s7 =	simm.s32 $0x0;
	s20 =	sshll.u32 s5, $0x1;
	s5 =	sadd.s32 s21, s3  }
0xa3: {  	[timem:s7], [sflag:s22] =	dma.local [hbm:s5], s20  }
0xa4: {  	_ =	swait.ge [sflag:s22], s20  }
0xa5: {  	s4 =	ssub.s32 $0x0, s20;
	[sflag:s22] =	ssyncset.done $0x0  }
0xa6: {  	[sflag:s22] =	ssyncadd.s32 s4;
	_ =	sdelay $0x1  }
0xa7: {  	s23 =	simm.s32 $0x1B8B  }
0xa8: {  	_ =	swait.ge [sflag:s23], $0x1  }
0xa9: {  	[sflag:s23] =	ssyncset.done $0x0  }
0xaa: {  	s25 =	simm.s32 $0x1B8E;
	s24 =	sld [smem:$0x3FFE];
	[sflag:s23] =	ssyncadd.s32 $0xFFFFFFFF  }
0xab: {  	s26 =	simm.s32 $execute0_lowered;
	[smem:$0x3FD2] =	sst s25  }
0xac: {  	s5 =	sshll.u32 s26, $0x1;
	_ =	strace $0x80000046;
	[dreg:$0x1] =	wrdreg $0xFFFFFFFF  }
0xad: {  	s28 =	simm.s32 $_size_execute0_lowered;
	s3 =	sadd.s32 s3, s5;
	[dreg:$0x0] =	wrdreg $0x0  }
0xae: {  	s5 =	sshll.u32 s28, $0x1;
	[dreg:$0x2] =	wrdreg s3  }
0xaf: {  	[dreg:$0x3] =	wrdreg s5  }
0xb0: {  	[dreg:$0x4] =	wrdreg $0xC0  }
0xb1: {  	_ =	task [dreg:s7], $0x5FFFF  }
0xb2: {  	[dreg:$0x1] =	wrdreg $0xFFFFFFFF  }
0xb3: {  	[dreg:$0x0] =	wrdreg $0x60  }
0xb4: {  	[dreg:$0x2] =	wrdreg s24  }
0xb5: {  	[dreg:$0x3] =	wrdreg s16  }
0xb6: {  	[dreg:$0x4] =	wrdreg $0x0  }
0xb7: {  	[dreg:$0x5] =	wrdreg $0x9  }
0xb8: {  	_ =	task.clear_ibuf [dreg:s7], $0x6FFFF;
	_ =	strace $0x90000046  }
0xb9: {  	s29 =	simm.s32 $0x9;
	_ =	strace $0x80000048  }
0xba: {  	_ =	swait.ge [sflag:s29], $0x1  }
0xbb: {  	[sflag:s29] =	ssyncadd.s32 $0xFFFFFFFF  }
0xbc: {  	_ =	strace $0x90000048  }
0xbd: {  	_ =	sfence  }
0xbe: {  	s30 =	sld [smem:$0x0];
	_ =	sdelay $0x2  }
0xbf: {  	s31 =	sshll.u32 s1, $0xD;
	s1 =	sshrl.u32 s1, $0x2  }
0xc0: {  	s3 =	sand.u32 $0x4000, s31;
	s1 =	sadd.s32 s1, s30  }
0xc1: {  	s0 =	sor.u32 s3, s0;
	s1 =	sshll.u32 s1, $0x11  }
0xc2: {  	s0 =	sor.u32 s1, s0  }
0xc3: {  	s0 =	sadd.s32 $0x8F2B, s0  }
0xc4: {  	[sflag:s0] =	ssyncadd.remote.s32 $0x1  }
0xc5: {  	_ =	sfence.sel $0xFFFF  }
0xc6: {  	[dreg:$0x0] =	wrdreg $0xFFFFFFFF;
	(pc) =	sbr.abs _section_cstart, $3  }
0xc7: {  	[dreg:$0x1] =	wrdreg $0xFFFFFFFF  }
0xc8: {  	_ =	task.clear_ibuf [dreg:s7], $0x2FFFF;
	_ =	strace $0x9FFFFFFF  }
0xc9: {  	(tm) =	ssettm $0x7FFFFFFF  }
tec
execute0_lowered:
.L_overlay_start_1:
0x0: {  	(tag) =	ssettag $0x1  }
0x1: {  	s7 =	rddreg [dreg:$0x0]  }
0x2: {  	s6 =	rddreg [dreg:$0x1]  }
0x3: {  	s1 =	rddreg [dreg:$0x2];
	s2 =	simm.s32 $0x0;
	s0 =	srdreg.scid  }
0x4: {  	s28 =	simm.s32 $0x1F540;
	s9 =	sand.u32 $0x1, s0;
	s0 =	stileid.u32  }
0x5: {  	s29 =	simm.s32 $0x1;
	s30 =	simm.s32 $0x30;
	s10 =	smul.u32 $0x6CA00, s0  }
0x6: {  	s31 =	simm.s32 $0x1B280;
	[smem:$0x7FF] =	sst s2;
	s14 =	smul.u32 $0x138800, s9  }
0x7: {  	s3 =	sadd.s32 $0x400, s7;
	s4 =	sadd.s32 $0x36000, s7;
	s22 =	smul.u32 $0x13800, s0  }
0x8: {  	s5 =	sadd.s32 $0x3FE00, s7;
	s11 =	sadd.s32 $0x49C00, s7;
	s15 =	smul.u32 $0x6B400, s0  }
0x9: {  	s13 =	sadd.s32 $0x4D400, s7;
	_ =	strace $0x80000047;
	s16 =	smul.u32 $0x75300, s9  }
0xa: {  	s8 =	sshll.u32 s9, $0x4;
	[dreg:$0xe] =	wrdreg s11;
	s25 =	smul.u32 $0x7500, s0  }
0xb: {  	s19 =	ssub.s32 $0x2, s9;
	s23 =	sshll.u32 s0, $0x6;
	s9 =	smul.u32 $0x27600, s9  }
0xc: {  	s26 =	smul.u32 $0x2760, s0;
	p0 =	sne.s32 s0, $0x0;
	s8 =	sor.u32 s0, s8  }
0xd: {  	s20 =	sshrl.u32 s19, $0x1;
	s7 =	sor.u32 $0x1C06, s23;
	s12 =	smul.u32 $0x2760, s8  }
0xe: {  	s11 =	ssub.s32 s19, s20;
	s21 =	sshrl.u32 s10, $0x2;
	s10 =	sadd.s32 s22, s14  }
0xf: {  	s19 =	sadd.s32 s25, s16;
	s20 =	sshrl.u32 s15, $0x2;
	s9 =	sadd.s32 s26, s9  }
0x10: {  	s14 =	sshrl.u32 s14, $0x3;
	s15 =	simm.s32 $0x0;
	s8 =	sadd.s32 s21, s1  }
0x11: {  	s10 =	sshrl.u32 s10, $0x3;
	s21 =	sadd.s32 $0x150, s9;
	s23 =	sadd.s32 $0xF0, s9  }
0x12: {  	s26 =	sadd.s32 $0xC0, s9;
	s11 =	smax.u32 s11, $0x1;
	s12 =	sshrl.u32 s12, $0x3  }
0x13: {  	s10 =	sadd.s32 s13, s10;
	s13 =	sadd.s32 s13, s14;
	[dreg:$0x18] =	wrdreg s11  }
0x14: {  	s11 =	simm.s32 $0x3;
	s17 =	sadd.s32 s4, s12;
	[dreg:$0x13] =	wrdreg s10  }
0x15: {  	s24 =	sadd.s32 s5, s12;
	s12 =	sadd.s32 $0x6, s12;
	[dreg:$0xf] =	wrdreg s17  }
0x16: {  	s10 =	sshrl.u32 s19, $0x3;
	s13 =	sadd.s32 $0x27000, s13;
	[dreg:$0x10] =	wrdreg s24  }
0x17: {  	s18 =	sadd.s32 s4, s12;
	s12 =	sadd.s32 s5, s12;
	[dreg:$0x16] =	wrdreg s13  }
0x18: {  	s10 =	sadd.s32 s6, s10;
	s24 =	sshrl.u32 s23, $0x3;
	[dreg:$0x11] =	wrdreg s18  }
0x19: {  	s13 =	sadd.s32 $0x1AD000, s1;
	s23 =	sadd.s32 $0x60, s9;
	[dreg:$0x12] =	wrdreg s12  }
0x1a: {  	s12 =	sadd.s32 s20, s1;
	[dreg:$0x15] =	wrdreg s10;
	s10 =	sshrl.u32 s21, $0x3  }
0x1b: {  	s25 =	sadd.s32 s24, s5;
	s17 =	sadd.s32 s24, s4;
	[dreg:$0x14] =	wrdreg s12  }
0x1c: {  	s18 =	sshrl.u32 s26, $0x3;
	s20 =	sadd.s32 $0x90, s9;
	[dreg:$0x6] =	wrdreg s25  }
0x1d: {  	s21 =	sshrl.u32 s16, $0x3;
	s9 =	sadd.s32 $0x120, s9;
	[dreg:$0x7] =	wrdreg s17  }
0x1e: {  	s0 =	sshrl.u32 @!p0 s13, $0x3;
	s12 =	sadd.s32 $0x80, s12;
	[dreg:$0x19] =	wrdreg s9  }
0x1f: {  	s22 =	sadd.s32 s10, s5;
	s10 =	sadd.s32 s10, s4;
	[dreg:$0x1c] =	wrdreg s0  }
0x20: {  	s19 =	sadd.s32 s18, s5;
	s14 =	sadd.s32 s18, s4;
	[dreg:$0x4] =	wrdreg s22  }
0x21: {  	s6 =	sadd.s32 s6, s21;
	s25 =	sshrl.u32 s8, $0x3;
	[dreg:$0x5] =	wrdreg s10  }
0x22: {  	s21 =	simm.s32 $0x1F480;
	s8 =	simm.s32 $0x2;
	[dreg:$0x8] =	wrdreg s19  }
0x23: {  	s9 =	simm.s32 $0x1D380;
	s10 =	sshrl.u32 s20, $0x3;
	[dreg:$0x9] =	wrdreg s14  }
0x24: {  	s6 =	sadd.s32 $0xEA00, s6;
	s14 =	sadd.s32 $0x1AD080, s1;
	[dreg:$0x1a] =	wrdreg s25  }
0x25: {  	s20 =	simm.s32 $0x6;
	s26 =	sshrl.u32 s12, $0x3;
	[dreg:$0x17] =	wrdreg s6  }
0x26: {  	s12 =	simm.s32 $0x5;
	s22 =	sadd.s32 s10, s5;
	[dreg:$0x1b] =	wrdreg s26  }
0x27: {  	s10 =	sadd.s32 s10, s4;
	s6 =	sshrl.u32 s23, $0x3;
	[dreg:$0xa] =	wrdreg s22  }
0x28: {  	s0 =	sshrl.u32 @!p0 s14, $0x3;
	s26 =	simm.s32 $0x1F4B0;
	[dreg:$0xb] =	wrdreg s10  }
0x29: {  	s24 =	sadd.s32 s6, s5;
	s6 =	sadd.s32 s6, s4;
	[dreg:$0x1d] =	wrdreg s0  }
0x2a: {  	s22 =	simm.s32 $0x1F510;
	s0 =	simm.s32 $0x1F4E0;
	[dreg:$0xc] =	wrdreg s24  }
0x2b: {  	s10 =	simm.s32 $0x4;
	[dreg:$0xd] =	wrdreg s6;
	s6 =	simm.s32 $0x1F570  }
.LBB2_1:
0x2c: {  	s13 =	rddreg [dreg:$0xe]  }
0x2d: {  	s14 =	rddreg [dreg:$0x1a]  }
0x2e: {  	[spmem:s14], [sflag:s7] =	dma.local [hbm:s13], $0x3650  }
0x2f: {  	_ =	swait.ge [sflag:s20], $0x3650  }
0x30: {  	[sflag:s20] =	ssyncset.done $0x0  }
0x31: {  	[sflag:s20] =	ssyncadd.s32 $0xFFFFC9B0  }
0x32: {  	[bflag:$0x0] =	sbarrier.arrive $0xFFFF  }
0x33: {  	s16 =	rddreg [dreg:$0xf]  }
0x34: {  	[tilespmem:s21], [sflag:$0x1] =	stream.linear.gather [hbm4b:s16+s2], $0x30, $0x38;
	[tilespmem:$0x1F5A0] =	vst v63  }
0x35: {  	s17 =	rddreg [dreg:$0x10]  }
0x36: {  	[tilespmem:s22], [sflag:$0x1] =	stream.linear.gather [hbm4b:s17+s2], $0x30, $0x38;
	[tilespmem:$0x1F5A0] =	vst v63  }
0x37: {  	s18 =	rddreg [dreg:$0x11]  }
0x38: {  	[tilespmem:s26], [sflag:$0x2] =	stream.linear.gather [hbm4b:s18+s2], $0x30, $0x38;
	[tilespmem:$0x1F5A0] =	vst v63  }
0x39: {  	s19 =	rddreg [dreg:$0x12]  }
0x3a: {  	[tilespmem:s28], [sflag:$0x2] =	stream.linear.gather [hbm4b:s19+s2], $0x30, $0x38;
	[tilespmem:$0x1F5A0] =	vst v63  }
0x3b: {  	_ =	swait.ge [sflag:s29], $0x30  }
0x3c: {  	[sflag:s29] =	ssyncset.done $0x0  }
0x3d: {  	[sflag:s29] =	ssyncadd.s32 $0xFFFFFFD0  }
0x3e: {  	_ =	swait.ge [sflag:s29], $0x30  }
0x3f: {  	[sflag:s29] =	ssyncset.done $0x0  }
0x40: {  	s23 =	rddreg [dreg:$0xd];
	[sflag:s29] =	ssyncadd.s32 $0xFFFFFFD0  }
0x41: {  	[tilespmem:s31], [sflag:$0x4] =	stream.indirect.gather [hbm4b:s3+s30], $0xB0, s21, s30, $0xb8;
	[tilespmem:$0x1F5A0] =	vst v63  }
0x42: {  	s17 =	rddreg [dreg:$0xc];
	s13 =	sadd.s32 $0x0, s23  }
0x43: {  	[tilespmem:s0], [sflag:$0x3] =	stream.linear.gather [hbm4b:s13+s2], $0x30, $0x38;
	[tilespmem:$0x1F5A0] =	vst v63  }
0x44: {  	s24 =	sadd.s32 $0x0, s17  }
0x45: {  	[tilespmem:s6], [sflag:$0x3] =	stream.linear.gather [hbm4b:s24+s2], $0x30, $0x38;
	[tilespmem:$0x1F5A0] =	vst v63  }
0x46: {  	_ =	swait.ge [sflag:s8], $0x30  }
0x47: {  	[sflag:s8] =	ssyncset.done $0x0  }
0x48: {  	[sflag:s8] =	ssyncadd.s32 $0xFFFFFFD0  }
0x49: {  	_ =	swait.ge [sflag:s8], $0x30  }
0x4a: {  	[sflag:s8] =	ssyncset.done $0x0  }
0x4b: {  	[sflag:s8] =	ssyncadd.s32 $0xFFFFFFD0  }
0x4c: {  	[tilespmem:s9], [sflag:$0x5] =	stream.indirect.gather [hbm4b:s3+s30], $0xB0, s26, s30, $0xb8;
	[tilespmem:$0x1F5A0] =	vst v63  }
0x4d: {  	_ =	swait.ge [sflag:s10], $0x2100  }
0x4e: {  	[sflag:s10] =	ssyncset.done $0x0  }
0x4f: {  	[sflag:s10] =	ssyncadd.s32 $0xFFFFDF00  }
0x50: {  	[spmem:s1] =	stream.indirect.scatter.add.f32 [tilespmem:s31], [sflag:$0x6], $0xB0, s22, s30, $0xb8;
	[tilespmem:$0x1F5A0] =	vst v63  }
0x51: {  	_ =	swait.ge [sflag:s20], $0x2100  }
0x52: {  	s25 =	rddreg [dreg:$0xb];
	[sflag:s20] =	ssyncset.done $0x0  }
0x53: {  	s14 =	rddreg [dreg:$0xa];
	[sflag:s20] =	ssyncadd.s32 $0xFFFFDF00;
	s13 =	sadd.s32 $0x0, s25  }
0x54: {  	[tilespmem:s21], [sflag:$0x1] =	stream.linear.gather [hbm4b:s13+s2], $0x30, $0x38;
	[tilespmem:$0x1F5A0] =	vst v63  }
0x55: {  	s16 =	sadd.s32 $0x0, s14  }
0x56: {  	[tilespmem:s22], [sflag:$0x1] =	stream.linear.gather [hbm4b:s16+s2], $0x30, $0x38;
	[tilespmem:$0x1F5A0] =	vst v63  }
0x57: {  	_ =	swait.ge [sflag:s11], $0x30  }
0x58: {  	[sflag:s11] =	ssyncset.done $0x0  }
0x59: {  	[sflag:s11] =	ssyncadd.s32 $0xFFFFFFD0  }
0x5a: {  	_ =	swait.ge [sflag:s11], $0x30  }
0x5b: {  	[sflag:s11] =	ssyncset.done $0x0  }
0x5c: {  	[sflag:s11] =	ssyncadd.s32 $0xFFFFFFD0  }
0x5d: {  	[tilespmem:s31], [sflag:$0x4] =	stream.indirect.gather [hbm4b:s3+s30], $0xB0, s0, s30, $0xb8;
	[tilespmem:$0x1F5A0] =	vst v63  }
0x5e: {  	_ =	swait.ge [sflag:s12], $0x2100  }
0x5f: {  	[sflag:s12] =	ssyncset.done $0x0  }
0x60: {  	[sflag:s12] =	ssyncadd.s32 $0xFFFFDF00  }
0x61: {  	[spmem:s1] =	stream.indirect.scatter.add.f32 [tilespmem:s9], [sflag:$0x6], $0xB0, s28, s30, $0xb8;
	[tilespmem:$0x1F5A0] =	vst v63  }
0x62: {  	_ =	swait.ge [sflag:s20], $0x2100  }
0x63: {  	s17 =	rddreg [dreg:$0x9];
	[sflag:s20] =	ssyncset.done $0x0  }
0x64: {  	s18 =	rddreg [dreg:$0x8];
	[sflag:s20] =	ssyncadd.s32 $0xFFFFDF00;
	s13 =	sadd.s32 $0x0, s17  }
0x65: {  	[tilespmem:s26], [sflag:$0x2] =	stream.linear.gather [hbm4b:s13+s2], $0x30, $0x38;
	[tilespmem:$0x1F5A0] =	vst v63  }
0x66: {  	s19 =	sadd.s32 $0x0, s18  }
0x67: {  	[tilespmem:s28], [sflag:$0x2] =	stream.linear.gather [hbm4b:s19+s2], $0x30, $0x38;
	[tilespmem:$0x1F5A0] =	vst v63  }
0x68: {  	_ =	swait.ge [sflag:s29], $0x30  }
0x69: {  	[sflag:s29] =	ssyncset.done $0x0  }
0x6a: {  	[sflag:s29] =	ssyncadd.s32 $0xFFFFFFD0  }
0x6b: {  	_ =	swait.ge [sflag:s29], $0x30  }
0x6c: {  	[sflag:s29] =	ssyncset.done $0x0  }
0x6d: {  	[sflag:s29] =	ssyncadd.s32 $0xFFFFFFD0  }
0x6e: {  	[tilespmem:s9], [sflag:$0x5] =	stream.indirect.gather [hbm4b:s3+s30], $0xB0, s21, s30, $0xb8;
	[tilespmem:$0x1F5A0] =	vst v63  }
0x6f: {  	_ =	swait.ge [sflag:s10], $0x2100  }
0x70: {  	[sflag:s10] =	ssyncset.done $0x0  }
0x71: {  	[sflag:s10] =	ssyncadd.s32 $0xFFFFDF00  }
0x72: {  	[spmem:s1] =	stream.indirect.scatter.add.f32 [tilespmem:s31], [sflag:$0x6], $0xB0, s6, s30, $0xb8;
	[tilespmem:$0x1F5A0] =	vst v63  }
0x73: {  	_ =	swait.ge [sflag:s20], $0x2100  }
0x74: {  	s23 =	rddreg [dreg:$0x7];
	[sflag:s20] =	ssyncset.done $0x0  }
0x75: {  	s24 =	rddreg [dreg:$0x6];
	[sflag:s20] =	ssyncadd.s32 $0xFFFFDF00;
	s13 =	sadd.s32 $0x0, s23  }
0x76: {  	[tilespmem:s0], [sflag:$0x3] =	stream.linear.gather [hbm4b:s13+s2], $0x30, $0x38;
	[tilespmem:$0x1F5A0] =	vst v63  }
0x77: {  	s25 =	sadd.s32 $0x0, s24  }
0x78: {  	[tilespmem:s6], [sflag:$0x3] =	stream.linear.gather [hbm4b:s25+s2], $0x30, $0x38;
	[tilespmem:$0x1F5A0] =	vst v63  }
0x79: {  	_ =	swait.ge [sflag:s8], $0x30  }
0x7a: {  	[sflag:s8] =	ssyncset.done $0x0  }
0x7b: {  	[sflag:s8] =	ssyncadd.s32 $0xFFFFFFD0  }
0x7c: {  	_ =	swait.ge [sflag:s8], $0x30  }
0x7d: {  	[sflag:s8] =	ssyncset.done $0x0  }
0x7e: {  	[sflag:s8] =	ssyncadd.s32 $0xFFFFFFD0  }
0x7f: {  	[tilespmem:s31], [sflag:$0x4] =	stream.indirect.gather [hbm4b:s3+s30], $0xB0, s26, s30, $0xb8;
	[tilespmem:$0x1F5A0] =	vst v63  }
0x80: {  	_ =	swait.ge [sflag:s12], $0x2100  }
0x81: {  	[sflag:s12] =	ssyncset.done $0x0  }
0x82: {  	[sflag:s12] =	ssyncadd.s32 $0xFFFFDF00  }
0x83: {  	[spmem:s1] =	stream.indirect.scatter.add.f32 [tilespmem:s9], [sflag:$0x6], $0xB0, s22, s30, $0xb8;
	[tilespmem:$0x1F5A0] =	vst v63  }
0x84: {  	_ =	swait.ge [sflag:s20], $0x2100  }
0x85: {  	p1 =	por $0x0, $0x0;
	s14 =	rddreg [dreg:$0x19]  }
0x86: {  	s17 =	simm.s32 @!p1 $0x1F480;
	[sflag:s20] =	ssyncset.done $0x0;
	s13 =	sshrl.u32 @!p1 s14, $0x3  }
0x87: {  	s19 =	simm.s32 @!p1 $0x0;
	[sflag:s20] =	ssyncadd.s32 $0xFFFFDF00;
	s18 =	sadd.s32 @!p1 s4, s13  }
0x88: {  	[tilespmem:s17], [sflag:$0x1] =	stream.linear.gather @!p1 [hbm4b:s18+s19], $0x30, $0x38;
	[tilespmem:$0x1F5A0] =	vst v63  }
0x89: {  	s13 =	sadd.s32 @!p1 s5, s13;
	s18 =	simm.s32 @!p1 $0x1F510  }
0x8a: {  	[tilespmem:s18], [sflag:$0x1] =	stream.linear.gather @!p1 [hbm4b:s13+s19], $0x30, $0x38;
	[tilespmem:$0x1F5A0] =	vst v63  }
0x8b: {  	_ =	swait.ge [sflag:s11], $0x30  }
0x8c: {  	[sflag:s11] =	ssyncset.done $0x0  }
0x8d: {  	[sflag:s11] =	ssyncadd.s32 $0xFFFFFFD0  }
0x8e: {  	_ =	swait.ge [sflag:s11], $0x30  }
0x8f: {  	[sflag:s11] =	ssyncset.done $0x0  }
0x90: {  	[sflag:s11] =	ssyncadd.s32 $0xFFFFFFD0  }
0x91: {  	[tilespmem:s9], [sflag:$0x5] =	stream.indirect.gather [hbm4b:s3+s30], $0xB0, s0, s30, $0xb8;
	[tilespmem:$0x1F5A0] =	vst v63  }
0x92: {  	_ =	swait.ge [sflag:s10], $0x2100  }
0x93: {  	[sflag:s10] =	ssyncset.done $0x0  }
0x94: {  	[sflag:s10] =	ssyncadd.s32 $0xFFFFDF00  }
0x95: {  	[spmem:s1] =	stream.indirect.scatter.add.f32 [tilespmem:s31], [sflag:$0x6], $0xB0, s28, s30, $0xb8;
	[tilespmem:$0x1F5A0] =	vst v63  }
0x96: {  	_ =	swait.ge [sflag:s20], $0x2100  }
0x97: {  	s23 =	simm.s32 @!p1 $0x1F4B0;
	s13 =	rddreg [dreg:$0x5];
	[sflag:s20] =	ssyncset.done $0x0  }
0x98: {  	s18 =	rddreg [dreg:$0x4];
	[sflag:s20] =	ssyncadd.s32 $0xFFFFDF00;
	s13 =	sadd.s32 @!p1 $0x0, s13  }
0x99: {  	[tilespmem:s23], [sflag:$0x2] =	stream.linear.gather @!p1 [hbm4b:s13+s19], $0x30, $0x38;
	[tilespmem:$0x1F5A0] =	vst v63  }
0x9a: {  	s13 =	sadd.s32 @!p1 $0x0, s18;
	s18 =	simm.s32 @!p1 $0x1F540  }
0x9b: {  	[tilespmem:s18], [sflag:$0x2] =	stream.linear.gather @!p1 [hbm4b:s13+s19], $0x30, $0x38;
	[tilespmem:$0x1F5A0] =	vst v63  }
0x9c: {  	s13 =	simm.s32 @!p1 $0x1  }
0x9d: {  	_ =	swait.ge @!p1 [sflag:s13], $0x30  }
0x9e: {  	[sflag:s13] =	ssyncset.done @!p1 $0x0  }
0x9f: {  	[sflag:s13] =	ssyncadd.s32 @!p1 $0xFFFFFFD0  }
0xa0: {  	_ =	swait.ge @!p1 [sflag:s13], $0x30  }
0xa1: {  	[sflag:s13] =	ssyncset.done @!p1 $0x0  }
0xa2: {  	s18 =	simm.s32 @!p1 $0x1B280;
	[sflag:s13] =	ssyncadd.s32 @!p1 $0xFFFFFFD0;
	s13 =	simm.s32 @!p1 $0x30  }
0xa3: {  	[tilespmem:s18], [sflag:$0x4] =	stream.indirect.gather @!p1 [hbm4b:s3+s13], $0xB0, s17, s13, $0xb8;
	[tilespmem:$0x1F5A0] =	vst v63  }
0xa4: {  	_ =	swait.ge [sflag:s12], $0x2100  }
0xa5: {  	[sflag:s12] =	ssyncset.done $0x0  }
0xa6: {  	[sflag:s12] =	ssyncadd.s32 $0xFFFFDF00  }
0xa7: {  	[spmem:s1] =	stream.indirect.scatter.add.f32 [tilespmem:s9], [sflag:$0x6], $0xB0, s6, s30, $0xb8;
	[tilespmem:$0x1F5A0] =	vst v63  }
0xa8: {  	s13 =	simm.s32 $0x24;
	s17 =	simm.s32 $0x48;
	_ =	swait.ge [sflag:s20], $0x2100  }
0xa9: {  	s18 =	smov.u32 s14;
	s23 =	rddreg [dreg:$0xd];
	[sflag:s20] =	ssyncset.done $0x0  }
.LBB2_2:
0xaa: {  	[sflag:s20] =	ssyncadd.s32 $0xFFFFDF00;
	s24 =	rddreg [dreg:$0xc];
	s23 =	sadd.s32 s13, s23  }
0xab: {  	[tilespmem:s0], [sflag:$0x3] =	stream.linear.gather [hbm4b:s23+s2], $0x30, $0x38;
	[tilespmem:$0x1F5A0] =	vst v63  }
0xac: {  	s25 =	sadd.s32 s13, s24  }
0xad: {  	[tilespmem:s6], [sflag:$0x3] =	stream.linear.gather [hbm4b:s25+s2], $0x30, $0x38;
	[tilespmem:$0x1F5A0] =	vst v63  }
0xae: {  	_ =	swait.ge [sflag:s8], $0x30  }
0xaf: {  	[sflag:s8] =	ssyncset.done $0x0  }
0xb0: {  	[sflag:s8] =	ssyncadd.s32 $0xFFFFFFD0  }
0xb1: {  	_ =	swait.ge [sflag:s8], $0x30  }
0xb2: {  	[sflag:s8] =	ssyncset.done $0x0  }
0xb3: {  	[sflag:s8] =	ssyncadd.s32 $0xFFFFFFD0  }
0xb4: {  	[tilespmem:s9], [sflag:$0x5] =	stream.indirect.gather [hbm4b:s3+s30], $0xB0, s26, s30, $0xb8;
	[tilespmem:$0x1F5A0] =	vst v63  }
0xb5: {  	_ =	swait.ge [sflag:s10], $0x2100  }
0xb6: {  	[sflag:s10] =	ssyncset.done $0x0  }
0xb7: {  	[sflag:s10] =	ssyncadd.s32 $0xFFFFDF00  }
0xb8: {  	[spmem:s1] =	stream.indirect.scatter.add.f32 [tilespmem:s31], [sflag:$0x6], $0xB0, s22, s30, $0xb8;
	[tilespmem:$0x1F5A0] =	vst v63  }
0xb9: {  	_ =	swait.ge [sflag:s20], $0x2100  }
0xba: {  	s14 =	rddreg [dreg:$0xb];
	[sflag:s20] =	ssyncset.done $0x0  }
0xbb: {  	s16 =	rddreg [dreg:$0xa];
	[sflag:s20] =	ssyncadd.s32 $0xFFFFDF00;
	s23 =	sadd.s32 s13, s14  }
0xbc: {  	[tilespmem:s21], [sflag:$0x1] =	stream.linear.gather [hbm4b:s23+s2], $0x30, $0x38;
	[tilespmem:$0x1F5A0] =	vst v63  }
0xbd: {  	s25 =	sadd.s32 s13, s16  }
0xbe: {  	[tilespmem:s22], [sflag:$0x1] =	stream.linear.gather [hbm4b:s25+s2], $0x30, $0x38;
	[tilespmem:$0x1F5A0] =	vst v63  }
0xbf: {  	_ =	swait.ge [sflag:s11], $0x30  }
0xc0: {  	[sflag:s11] =	ssyncset.done $0x0  }
0xc1: {  	[sflag:s11] =	ssyncadd.s32 $0xFFFFFFD0  }
0xc2: {  	_ =	swait.ge [sflag:s11], $0x30  }
0xc3: {  	[sflag:s11] =	ssyncset.done $0x0  }
0xc4: {  	[sflag:s11] =	ssyncadd.s32 $0xFFFFFFD0  }
0xc5: {  	[tilespmem:s31], [sflag:$0x4] =	stream.indirect.gather [hbm4b:s3+s30], $0xB0, s0, s30, $0xb8;
	[tilespmem:$0x1F5A0] =	vst v63  }
0xc6: {  	_ =	swait.ge [sflag:s12], $0x2100  }
0xc7: {  	[sflag:s12] =	ssyncset.done $0x0  }
0xc8: {  	[sflag:s12] =	ssyncadd.s32 $0xFFFFDF00  }
0xc9: {  	[spmem:s1] =	stream.indirect.scatter.add.f32 [tilespmem:s9], [sflag:$0x6], $0xB0, s28, s30, $0xb8;
	[tilespmem:$0x1F5A0] =	vst v63  }
0xca: {  	_ =	swait.ge [sflag:s20], $0x2100  }
0xcb: {  	s14 =	rddreg [dreg:$0x9];
	[sflag:s20] =	ssyncset.done $0x0  }
0xcc: {  	s16 =	rddreg [dreg:$0x8];
	[sflag:s20] =	ssyncadd.s32 $0xFFFFDF00;
	s23 =	sadd.s32 s13, s14  }
0xcd: {  	[tilespmem:s26], [sflag:$0x2] =	stream.linear.gather [hbm4b:s23+s2], $0x30, $0x38;
	[tilespmem:$0x1F5A0] =	vst v63  }
0xce: {  	s25 =	sadd.s32 s13, s16  }
0xcf: {  	[tilespmem:s28], [sflag:$0x2] =	stream.linear.gather [hbm4b:s25+s2], $0x30, $0x38;
	[tilespmem:$0x1F5A0] =	vst v63  }
0xd0: {  	_ =	swait.ge [sflag:s29], $0x30  }
0xd1: {  	[sflag:s29] =	ssyncset.done $0x0  }
0xd2: {  	[sflag:s29] =	ssyncadd.s32 $0xFFFFFFD0  }
0xd3: {  	_ =	swait.ge [sflag:s29], $0x30  }
0xd4: {  	[sflag:s29] =	ssyncset.done $0x0  }
0xd5: {  	[sflag:s29] =	ssyncadd.s32 $0xFFFFFFD0  }
0xd6: {  	[tilespmem:s9], [sflag:$0x5] =	stream.indirect.gather [hbm4b:s3+s30], $0xB0, s21, s30, $0xb8;
	[tilespmem:$0x1F5A0] =	vst v63  }
0xd7: {  	_ =	swait.ge [sflag:s10], $0x2100  }
0xd8: {  	[sflag:s10] =	ssyncset.done $0x0  }
0xd9: {  	[sflag:s10] =	ssyncadd.s32 $0xFFFFDF00  }
0xda: {  	[spmem:s1] =	stream.indirect.scatter.add.f32 [tilespmem:s31], [sflag:$0x6], $0xB0, s6, s30, $0xb8;
	[tilespmem:$0x1F5A0] =	vst v63  }
0xdb: {  	_ =	swait.ge [sflag:s20], $0x2100  }
0xdc: {  	s14 =	rddreg [dreg:$0x7];
	[sflag:s20] =	ssyncset.done $0x0  }
0xdd: {  	s16 =	rddreg [dreg:$0x6];
	[sflag:s20] =	ssyncadd.s32 $0xFFFFDF00;
	s23 =	sadd.s32 s13, s14  }
0xde: {  	[tilespmem:s0], [sflag:$0x3] =	stream.linear.gather [hbm4b:s23+s2], $0x30, $0x38;
	[tilespmem:$0x1F5A0] =	vst v63  }
0xdf: {  	s25 =	sadd.s32 s13, s16  }
0xe0: {  	[tilespmem:s6], [sflag:$0x3] =	stream.linear.gather [hbm4b:s25+s2], $0x30, $0x38;
	[tilespmem:$0x1F5A0] =	vst v63  }
0xe1: {  	_ =	swait.ge [sflag:s8], $0x30  }
0xe2: {  	[sflag:s8] =	ssyncset.done $0x0  }
0xe3: {  	[sflag:s8] =	ssyncadd.s32 $0xFFFFFFD0  }
0xe4: {  	_ =	swait.ge [sflag:s8], $0x30  }
0xe5: {  	[sflag:s8] =	ssyncset.done $0x0  }
0xe6: {  	[sflag:s8] =	ssyncadd.s32 $0xFFFFFFD0  }
0xe7: {  	[tilespmem:s31], [sflag:$0x4] =	stream.indirect.gather [hbm4b:s3+s30], $0xB0, s26, s30, $0xb8;
	[tilespmem:$0x1F5A0] =	vst v63  }
0xe8: {  	_ =	swait.ge [sflag:s12], $0x2100  }
0xe9: {  	[sflag:s12] =	ssyncset.done $0x0  }
0xea: {  	[sflag:s12] =	ssyncadd.s32 $0xFFFFDF00  }
0xeb: {  	[spmem:s1] =	stream.indirect.scatter.add.f32 [tilespmem:s9], [sflag:$0x6], $0xB0, s22, s30, $0xb8;
	[tilespmem:$0x1F5A0] =	vst v63  }
0xec: {  	s18 =	sadd.s32 $0x120, s18;
	p2 =	seq.s32 s13, $0x4C8;
	_ =	swait.ge [sflag:s20], $0x2100  }
0xed: {  	s24 =	sshrl.u32 @!p2 s18, $0x3;
	s14 =	simm.s32 @!p2 $0x0;
	[sflag:s20] =	ssyncset.done $0x0  }
0xee: {  	s23 =	simm.s32 @!p2 $0x1F480;
	s25 =	sadd.s32 @!p2 s4, s24;
	[sflag:s20] =	ssyncadd.s32 $0xFFFFDF00  }
0xef: {  	[tilespmem:s23], [sflag:$0x1] =	stream.linear.gather @!p2 [hbm4b:s25+s14], $0x30, $0x38;
	[tilespmem:$0x1F5A0] =	vst v63  }
0xf0: {  	s24 =	sadd.s32 @!p2 s5, s24;
	s25 =	simm.s32 @!p2 $0x1F510  }
0xf1: {  	[tilespmem:s25], [sflag:$0x1] =	stream.linear.gather @!p2 [hbm4b:s24+s14], $0x30, $0x38;
	[tilespmem:$0x1F5A0] =	vst v63  }
0xf2: {  	_ =	swait.ge [sflag:s11], $0x30  }
0xf3: {  	[sflag:s11] =	ssyncset.done $0x0  }
0xf4: {  	[sflag:s11] =	ssyncadd.s32 $0xFFFFFFD0  }
0xf5: {  	_ =	swait.ge [sflag:s11], $0x30  }
0xf6: {  	[sflag:s11] =	ssyncset.done $0x0  }
0xf7: {  	[sflag:s11] =	ssyncadd.s32 $0xFFFFFFD0  }
0xf8: {  	[tilespmem:s9], [sflag:$0x5] =	stream.indirect.gather [hbm4b:s3+s30], $0xB0, s0, s30, $0xb8;
	[tilespmem:$0x1F5A0] =	vst v63  }
0xf9: {  	_ =	swait.ge [sflag:s10], $0x2100  }
0xfa: {  	[sflag:s10] =	ssyncset.done $0x0  }
0xfb: {  	[sflag:s10] =	ssyncadd.s32 $0xFFFFDF00  }
0xfc: {  	[spmem:s1] =	stream.indirect.scatter.add.f32 [tilespmem:s31], [sflag:$0x6], $0xB0, s28, s30, $0xb8;
	[tilespmem:$0x1F5A0] =	vst v63  }
0xfd: {  	_ =	swait.ge [sflag:s20], $0x2100  }
0xfe: {  	s16 =	simm.s32 @!p2 $0x1F4B0;
	s24 =	rddreg [dreg:$0x5];
	[sflag:s20] =	ssyncset.done $0x0  }
0xff: {  	s25 =	rddreg [dreg:$0x4];
	[sflag:s20] =	ssyncadd.s32 $0xFFFFDF00;
	s24 =	sadd.s32 @!p2 s13, s24  }
0x100: {  	[tilespmem:s16], [sflag:$0x2] =	stream.linear.gather @!p2 [hbm4b:s24+s14], $0x30, $0x38;
	[tilespmem:$0x1F5A0] =	vst v63  }
0x101: {  	s13 =	sadd.s32 @!p2 s13, s25;
	s16 =	simm.s32 @!p2 $0x1F540;
	s24 =	simm.s32 @!p2 $0x1  }
0x102: {  	[tilespmem:s16], [sflag:$0x2] =	stream.linear.gather @!p2 [hbm4b:s13+s14], $0x30, $0x38;
	[tilespmem:$0x1F5A0] =	vst v63  }
0x103: {  	_ =	swait.ge @!p2 [sflag:s24], $0x30  }
0x104: {  	[sflag:s24] =	ssyncset.done @!p2 $0x0  }
0x105: {  	[sflag:s24] =	ssyncadd.s32 @!p2 $0xFFFFFFD0  }
0x106: {  	_ =	swait.ge @!p2 [sflag:s24], $0x30  }
0x107: {  	s19 =	smov.u32 s17;
	s17 =	sadd.s32 $0x24, s17;
	[sflag:s24] =	ssyncset.done @!p2 $0x0  }
0x108: {  	s14 =	simm.s32 @!p2 $0x30;
	s16 =	simm.s32 @!p2 $0x1B280;
	[sflag:s24] =	ssyncadd.s32 @!p2 $0xFFFFFFD0  }
0x109: {  	[tilespmem:s16], [sflag:$0x4] =	stream.indirect.gather @!p2 [hbm4b:s3+s14], $0xB0, s23, s14, $0xb8;
	[tilespmem:$0x1F5A0] =	vst v63  }
0x10a: {  	p1 =	sne.s32 s17, $0x4EC;
	_ =	swait.ge [sflag:s12], $0x2100  }
.Ltmp0:
0x10b: {  	[sflag:s12] =	ssyncset.done $0x0;
	(pc) =	sbr.rel @p1 .LBB2_2-.Ltmp0, $4  }
0x10c: {  	[sflag:s12] =	ssyncadd.s32 $0xFFFFDF00  }
0x10d: {  	[spmem:s1] =	stream.indirect.scatter.add.f32 [tilespmem:s9], [sflag:$0x6], $0xB0, s6, s30, $0xb8;
	[tilespmem:$0x1F5A0] =	vst v63  }
0x10e: {  	_ =	swait.ge [sflag:s20], $0x2100  }
0x10f: {  	s13 =	smov.u32 s19;
	s23 =	rddreg [dreg:$0xd];
	[sflag:s20] =	ssyncset.done $0x0  }
0x110: {  	s14 =	rddreg [dreg:$0xc];
	[sflag:s20] =	ssyncadd.s32 $0xFFFFDF00;
	s16 =	sadd.s32 s13, s23  }
0x111: {  	[tilespmem:s0], [sflag:$0x3] =	stream.linear.gather [hbm4b:s16+s2], $0x30, $0x38;
	[tilespmem:$0x1F5A0] =	vst v63  }
0x112: {  	s14 =	sadd.s32 s13, s14  }
0x113: {  	[tilespmem:s6], [sflag:$0x3] =	stream.linear.gather [hbm4b:s14+s2], $0x30, $0x38;
	[tilespmem:$0x1F5A0] =	vst v63  }
0x114: {  	_ =	swait.ge [sflag:s8], $0x30  }
0x115: {  	[sflag:s8] =	ssyncset.done $0x0  }
0x116: {  	[sflag:s8] =	ssyncadd.s32 $0xFFFFFFD0  }
0x117: {  	_ =	swait.ge [sflag:s8], $0x30  }
0x118: {  	[sflag:s8] =	ssyncset.done $0x0  }
0x119: {  	[sflag:s8] =	ssyncadd.s32 $0xFFFFFFD0  }
0x11a: {  	[tilespmem:s9], [sflag:$0x5] =	stream.indirect.gather [hbm4b:s3+s30], $0xB0, s26, s30, $0xb8;
	[tilespmem:$0x1F5A0] =	vst v63  }
0x11b: {  	_ =	swait.ge [sflag:s10], $0x2100  }
0x11c: {  	[sflag:s10] =	ssyncset.done $0x0  }
0x11d: {  	[sflag:s10] =	ssyncadd.s32 $0xFFFFDF00  }
0x11e: {  	[spmem:s1] =	stream.indirect.scatter.add.f32 [tilespmem:s31], [sflag:$0x6], $0xB0, s22, s30, $0xb8;
	[tilespmem:$0x1F5A0] =	vst v63  }
0x11f: {  	_ =	swait.ge [sflag:s20], $0x2100  }
0x120: {  	s23 =	rddreg [dreg:$0xb];
	[sflag:s20] =	ssyncset.done $0x0  }
0x121: {  	s24 =	rddreg [dreg:$0xa];
	[sflag:s20] =	ssyncadd.s32 $0xFFFFDF00;
	s14 =	sadd.s32 s13, s23  }
0x122: {  	[tilespmem:s21], [sflag:$0x1] =	stream.linear.gather [hbm4b:s14+s2], $0x30, $0x38;
	[tilespmem:$0x1F5A0] =	vst v63  }
0x123: {  	s25 =	sadd.s32 s13, s24  }
0x124: {  	[tilespmem:s22], [sflag:$0x1] =	stream.linear.gather [hbm4b:s25+s2], $0x30, $0x38;
	[tilespmem:$0x1F5A0] =	vst v63  }
0x125: {  	_ =	swait.ge [sflag:s11], $0x30  }
0x126: {  	[sflag:s11] =	ssyncset.done $0x0  }
0x127: {  	[sflag:s11] =	ssyncadd.s32 $0xFFFFFFD0  }
0x128: {  	_ =	swait.ge [sflag:s11], $0x30  }
0x129: {  	[sflag:s11] =	ssyncset.done $0x0  }
0x12a: {  	[sflag:s11] =	ssyncadd.s32 $0xFFFFFFD0  }
0x12b: {  	[tilespmem:s31], [sflag:$0x4] =	stream.indirect.gather [hbm4b:s3+s30], $0xB0, s0, s30, $0xb8;
	[tilespmem:$0x1F5A0] =	vst v63  }
0x12c: {  	_ =	swait.ge [sflag:s12], $0x2100  }
0x12d: {  	[sflag:s12] =	ssyncset.done $0x0  }
0x12e: {  	[sflag:s12] =	ssyncadd.s32 $0xFFFFDF00  }
0x12f: {  	[spmem:s1] =	stream.indirect.scatter.add.f32 [tilespmem:s9], [sflag:$0x6], $0xB0, s28, s30, $0xb8;
	[tilespmem:$0x1F5A0] =	vst v63  }
0x130: {  	_ =	swait.ge [sflag:s20], $0x2100  }
0x131: {  	s16 =	rddreg [dreg:$0x9];
	[sflag:s20] =	ssyncset.done $0x0  }
0x132: {  	s17 =	rddreg [dreg:$0x8];
	[sflag:s20] =	ssyncadd.s32 $0xFFFFDF00;
	s14 =	sadd.s32 s13, s16  }
0x133: {  	[tilespmem:s26], [sflag:$0x2] =	stream.linear.gather [hbm4b:s14+s2], $0x30, $0x38;
	[tilespmem:$0x1F5A0] =	vst v63  }
0x134: {  	s19 =	sadd.s32 s13, s17  }
0x135: {  	[tilespmem:s28], [sflag:$0x2] =	stream.linear.gather [hbm4b:s19+s2], $0x30, $0x38;
	[tilespmem:$0x1F5A0] =	vst v63  }
0x136: {  	_ =	swait.ge [sflag:s29], $0x30  }
0x137: {  	[sflag:s29] =	ssyncset.done $0x0  }
0x138: {  	[sflag:s29] =	ssyncadd.s32 $0xFFFFFFD0  }
0x139: {  	_ =	swait.ge [sflag:s29], $0x30  }
0x13a: {  	[sflag:s29] =	ssyncset.done $0x0  }
0x13b: {  	[sflag:s29] =	ssyncadd.s32 $0xFFFFFFD0  }
0x13c: {  	[tilespmem:s9], [sflag:$0x5] =	stream.indirect.gather [hbm4b:s3+s30], $0xB0, s21, s30, $0xb8;
	[tilespmem:$0x1F5A0] =	vst v63  }
0x13d: {  	_ =	swait.ge [sflag:s10], $0x2100  }
0x13e: {  	[sflag:s10] =	ssyncset.done $0x0  }
0x13f: {  	[sflag:s10] =	ssyncadd.s32 $0xFFFFDF00  }
0x140: {  	[spmem:s1] =	stream.indirect.scatter.add.f32 [tilespmem:s31], [sflag:$0x6], $0xB0, s6, s30, $0xb8;
	[tilespmem:$0x1F5A0] =	vst v63  }
0x141: {  	_ =	swait.ge [sflag:s20], $0x2100  }
0x142: {  	s23 =	rddreg [dreg:$0x7];
	[sflag:s20] =	ssyncset.done $0x0  }
0x143: {  	s24 =	rddreg [dreg:$0x6];
	[sflag:s20] =	ssyncadd.s32 $0xFFFFDF00;
	s14 =	sadd.s32 s13, s23  }
0x144: {  	[tilespmem:s0], [sflag:$0x3] =	stream.linear.gather [hbm4b:s14+s2], $0x30, $0x38;
	[tilespmem:$0x1F5A0] =	vst v63  }
0x145: {  	s25 =	sadd.s32 s13, s24  }
0x146: {  	[tilespmem:s6], [sflag:$0x3] =	stream.linear.gather [hbm4b:s25+s2], $0x30, $0x38;
	[tilespmem:$0x1F5A0] =	vst v63  }
0x147: {  	_ =	swait.ge [sflag:s8], $0x30  }
0x148: {  	[sflag:s8] =	ssyncset.done $0x0  }
0x149: {  	[sflag:s8] =	ssyncadd.s32 $0xFFFFFFD0  }
0x14a: {  	_ =	swait.ge [sflag:s8], $0x30  }
0x14b: {  	[sflag:s8] =	ssyncset.done $0x0  }
0x14c: {  	[sflag:s8] =	ssyncadd.s32 $0xFFFFFFD0  }
0x14d: {  	[tilespmem:s31], [sflag:$0x4] =	stream.indirect.gather [hbm4b:s3+s30], $0xB0, s26, s30, $0xb8;
	[tilespmem:$0x1F5A0] =	vst v63  }
0x14e: {  	_ =	swait.ge [sflag:s12], $0x2100  }
0x14f: {  	[sflag:s12] =	ssyncset.done $0x0  }
0x150: {  	[sflag:s12] =	ssyncadd.s32 $0xFFFFDF00  }
0x151: {  	[spmem:s1] =	stream.indirect.scatter.add.f32 [tilespmem:s9], [sflag:$0x6], $0xB0, s22, s30, $0xb8;
	[tilespmem:$0x1F5A0] =	vst v63  }
0x152: {  	p1 =	seq.s32 s13, $0x4C8;
	s14 =	sadd.s32 $0x120, s18;
	_ =	swait.ge [sflag:s20], $0x2100  }
0x153: {  	s16 =	simm.s32 @!p1 $0x1F480;
	s14 =	sshrl.u32 @!p1 s14, $0x3;
	[sflag:s20] =	ssyncset.done $0x0  }
0x154: {  	s18 =	simm.s32 @!p1 $0x0;
	s17 =	sadd.s32 @!p1 s4, s14;
	[sflag:s20] =	ssyncadd.s32 $0xFFFFDF00  }
0x155: {  	[tilespmem:s16], [sflag:$0x1] =	stream.linear.gather @!p1 [hbm4b:s17+s18], $0x30, $0x38;
	[tilespmem:$0x1F5A0] =	vst v63  }
0x156: {  	s14 =	sadd.s32 @!p1 s5, s14;
	s17 =	simm.s32 @!p1 $0x1F510  }
0x157: {  	[tilespmem:s17], [sflag:$0x1] =	stream.linear.gather @!p1 [hbm4b:s14+s18], $0x30, $0x38;
	[tilespmem:$0x1F5A0] =	vst v63  }
0x158: {  	_ =	swait.ge [sflag:s11], $0x30  }
0x159: {  	[sflag:s11] =	ssyncset.done $0x0  }
0x15a: {  	[sflag:s11] =	ssyncadd.s32 $0xFFFFFFD0  }
0x15b: {  	_ =	swait.ge [sflag:s11], $0x30  }
0x15c: {  	[sflag:s11] =	ssyncset.done $0x0  }
0x15d: {  	[sflag:s11] =	ssyncadd.s32 $0xFFFFFFD0  }
0x15e: {  	[tilespmem:s9], [sflag:$0x5] =	stream.indirect.gather [hbm4b:s3+s30], $0xB0, s0, s30, $0xb8;
	[tilespmem:$0x1F5A0] =	vst v63  }
0x15f: {  	_ =	swait.ge [sflag:s10], $0x2100  }
0x160: {  	[sflag:s10] =	ssyncset.done $0x0  }
0x161: {  	[sflag:s10] =	ssyncadd.s32 $0xFFFFDF00  }
0x162: {  	[spmem:s1] =	stream.indirect.scatter.add.f32 [tilespmem:s31], [sflag:$0x6], $0xB0, s28, s30, $0xb8;
	[tilespmem:$0x1F5A0] =	vst v63  }
0x163: {  	_ =	swait.ge [sflag:s20], $0x2100  }
0x164: {  	s19 =	simm.s32 @!p1 $0x1F4B0;
	s14 =	rddreg [dreg:$0x5];
	[sflag:s20] =	ssyncset.done $0x0  }
0x165: {  	s17 =	rddreg [dreg:$0x4];
	[sflag:s20] =	ssyncadd.s32 $0xFFFFDF00;
	s14 =	sadd.s32 @!p1 s13, s14  }
0x166: {  	[tilespmem:s19], [sflag:$0x2] =	stream.linear.gather @!p1 [hbm4b:s14+s18], $0x30, $0x38;
	[tilespmem:$0x1F5A0] =	vst v63  }
0x167: {  	s13 =	sadd.s32 @!p1 s13, s17;
	s14 =	simm.s32 @!p1 $0x1F540  }
0x168: {  	[tilespmem:s14], [sflag:$0x2] =	stream.linear.gather @!p1 [hbm4b:s13+s18], $0x30, $0x38;
	[tilespmem:$0x1F5A0] =	vst v63  }
0x169: {  	s13 =	simm.s32 @!p1 $0x1  }
0x16a: {  	_ =	swait.ge @!p1 [sflag:s13], $0x30  }
0x16b: {  	[sflag:s13] =	ssyncset.done @!p1 $0x0  }
0x16c: {  	[sflag:s13] =	ssyncadd.s32 @!p1 $0xFFFFFFD0  }
0x16d: {  	_ =	swait.ge @!p1 [sflag:s13], $0x30  }
0x16e: {  	[sflag:s13] =	ssyncset.done @!p1 $0x0  }
0x16f: {  	s14 =	simm.s32 @!p1 $0x1B280;
	[sflag:s13] =	ssyncadd.s32 @!p1 $0xFFFFFFD0;
	s13 =	simm.s32 @!p1 $0x30  }
0x170: {  	[tilespmem:s14], [sflag:$0x4] =	stream.indirect.gather @!p1 [hbm4b:s3+s13], $0xB0, s16, s13, $0xb8;
	[tilespmem:$0x1F5A0] =	vst v63  }
0x171: {  	_ =	swait.ge [sflag:s12], $0x2100  }
0x172: {  	[sflag:s12] =	ssyncset.done $0x0  }
0x173: {  	[sflag:s12] =	ssyncadd.s32 $0xFFFFDF00  }
0x174: {  	[spmem:s1] =	stream.indirect.scatter.add.f32 [tilespmem:s9], [sflag:$0x6], $0xB0, s6, s30, $0xb8;
	[tilespmem:$0x1F5A0] =	vst v63  }
0x175: {  	_ =	swait.ge [sflag:s20], $0x2100  }
0x176: {  	[sflag:s20] =	ssyncset.done $0x0  }
0x177: {  	[sflag:s20] =	ssyncadd.s32 $0xFFFFDF00  }
0x178: {  	[bflag:$0x0] =	sbarrier.arrive $0xFFFF  }
0x179: {  	s19 =	simm.s32 $0x16;
	s16 =	rddreg [dreg:$0x14]  }
0x17a: {  	s18 =	simm.s32 $0x10;
	s17 =	rddreg [dreg:$0x13];
	s13 =	sshrl.u32 s16, $0x3  }
0x17b: {  	[hbm:s17@s18], [sflag:s7] =	dma.strided [spmem:s13@s19], $0x2700, s29, $0x10   }
0x17c: {  	_ =	swait.ge [sflag:s20], $0x2700  }
0x17d: {  	[sflag:s20] =	ssyncset.done $0x0;
	s23 =	rddreg [dreg:$0x15]  }
0x17e: {  	s24 =	rddreg [dreg:$0x1b];
	[sflag:s20] =	ssyncadd.s32 $0xFFFFD900  }
0x17f: {  	[hbm:s23@s20], [sflag:s7] =	dma.strided [spmem:s24@s19], $0xEA0, s29, $0x6   }
0x180: {  	s14 =	simm.s32 @!p0 $0x10;
	_ =	swait.ge [sflag:s20], $0xEA0  }
0x181: {  	s16 =	simm.s32 @!p0 $0x16;
	[sflag:s20] =	ssyncset.done $0x0;
	s17 =	rddreg [dreg:$0x16]  }
0x182: {  	s13 =	simm.s32 @!p0 $0x1;
	s18 =	rddreg [dreg:$0x1c];
	[sflag:s20] =	ssyncadd.s32 $0xFFFFF160  }
0x183: {  	[hbm:s17@s14], [sflag:s7] =	dma.strided @!p0 [spmem:s18@s16], $0x100, s13, $0x10   }
0x184: {  	s14 =	simm.s32 @!p0 $0x6  }
0x185: {  	_ =	swait.ge @!p0 [sflag:s14], $0x100  }
0x186: {  	[sflag:s14] =	ssyncset.done @!p0 $0x0;
	s17 =	rddreg [dreg:$0x17]  }
0x187: {  	s18 =	rddreg [dreg:$0x1d];
	[sflag:s14] =	ssyncadd.s32 @!p0 $0xFFFFFF00  }
0x188: {  	[hbm:s17@s14], [sflag:s7] =	dma.strided @!p0 [spmem:s18@s16], $0x60, s13, $0x6   }
0x189: {  	_ =	swait.ge @!p0 [sflag:s14], $0x60  }
0x18a: {  	s15 =	sadd.s32 $0x1, s15;
	s25 =	rddreg [dreg:$0x18]  }
0x18b: {  	p1 =	sne.s32 s15, s25  }
.Ltmp1:
0x18c: {  	_ = 	snop;
	(pc) =	sbr.rel @p1 .LBB2_1-.Ltmp1, $3  }
0x18d: {  	_ =	sdelay $0x1  }
0x18e: {  	[sflag:s14] =	ssyncset.done @!p0 $0x0  }
0x18f: {  	[sflag:s14] =	ssyncadd.s32 @!p0 $0xFFFFFFA0  }
0x190: {  	_ =	sfence.sel $0x180000  }
0x191: {  	[bflag:$0x0] =	sbarrier.arrive $0xFFFF  }
0x192: {  	_ =	strace $0x90000047  }
0x193: {  	[bflag:$0x2] =	sbarrier.arrive $0xFFFF  }
0x194: {  	s0 =	rddreg [dreg:$0x3]  }
0x195: {  	s0 =	sadd.s32 @!p0 $0x100000, s0  }
0x196: {  	[sflag:s0] =	ssyncadd.tile.s32 @!p0 $0x1;
	_ =	shalt  }
.Lfunc_end2:
_tile_overlayer_lowered:
.L_overlay_start_2:
0x197: {  	(tag) =	ssettag $0x2  }
0x198: {  	s0 =	rddreg [dreg:$0x0];
	s2 =	stileid.u32  }
0x199: {  	s1 =	rddreg [dreg:$0x1];
	p0 =	sne.s32 s2, $0x0  }
0x19a: {  	s3 =	rddreg [dreg:$0x2];
	[bflag:$0x3] =	sbarrier.arrive $0xFFFF;
	s2 =	simm.s32 @!p0 $0x1C06  }
0x19b: {  	[timem:s3], [sflag:s2] =	dma.local @!p0 [hbm:s0], s1  }
0x19c: {  	s0 =	simm.s32 @!p0 $0x6  }
0x19d: {  	_ =	swait.ge @!p0 [sflag:s0], s1  }
0x19e: {  	s1 =	ssub.s32 @!p0 $0x0, s1;
	[sflag:s0] =	ssyncset.done @!p0 $0x0  }
0x19f: {  	[sflag:s0] =	ssyncadd.s32 @!p0 s1  }
0x1a0: {  	[bflag:$0x3] =	sbarrier.arrive $0xFFFF  }
0x1a1: {  	_ =	shalt  }

</sc_bundles>
